<compile_context>
chip_gen: v7x
topology: tpu7x:2x2x1
jax: 0.10.2.dev20260603
libtpu: 0.0.44.dev20260713+nightly
codegen_flags: <defaults>
</compile_context>

<pallas_src>
import jax
import jax.numpy as jnp
from jax import lax
from jax.experimental import pallas as pl
from jax.experimental.pallas import tpu as pltpu
from jax.experimental.pallas import tpu_sc as plsc

NUM_CLASS = 100000
BATCH = 4096
CTX_DIM = 512
N_CLS_CTX = 4
PROMPT_LEN = 4
SEQ = 77
SUFFIX_LEN = SEQ - (2 * PROMPT_LEN + 1 + N_CLS_CTX)

NC, NS = 2, 16
NW = NC * NS
BPW = BATCH // NW
CHUNK = 16
NCHUNK = BPW // CHUNK

K = 64
NSTEP = BATCH // K
NSPLIT = 8
HEAD = 5
ROW_CLS = 5
ROW_MID = 9
ROW_SFX = 13


def _sc_gather_body(label_hbm, cls_hbm, out_hbm, idx_v, buf0, buf1, gsem, ssem):
    wid = lax.axis_index("s") * NC + lax.axis_index("c")
    base = wid * BPW
    pltpu.sync_copy(label_hbm.at[pl.ds(base, BPW)], idx_v)

    bufs = [buf0, buf1]
    g_h = [None] * NCHUNK
    s_h = [None] * NCHUNK

    def gather(c):
        return pltpu.async_copy(
            cls_hbm.at[idx_v.at[pl.ds(c * CHUNK, CHUNK)]], bufs[c % 2], gsem)

    g_h[0] = gather(0)
    for c in range(NCHUNK):
        if c + 1 < NCHUNK:
            if c - 1 >= 0:
                s_h[c - 1].wait()
            g_h[c + 1] = gather(c + 1)
        g_h[c].wait()
        s_h[c] = pltpu.async_copy(
            bufs[c % 2], out_hbm.at[pl.ds(base + c * CHUNK, CHUNK)], ssem)
    s_h[NCHUNK - 2].wait()
    s_h[NCHUNK - 1].wait()


def _sc_gather(label, cls_ctx):
    mesh = plsc.VectorSubcoreMesh(
        core_axis_name="c", subcore_axis_name="s",
        num_cores=NC, num_subcores=NS)
    return pl.kernel(
        _sc_gather_body,
        out_type=jax.ShapeDtypeStruct((BATCH, N_CLS_CTX, CTX_DIM),
                                      jnp.float32),
        mesh=mesh,
        scratch_types=[
            pltpu.VMEM((BPW,), jnp.int32),
            pltpu.VMEM((CHUNK, N_CLS_CTX, CTX_DIM), jnp.float32),
            pltpu.VMEM((CHUNK, N_CLS_CTX, CTX_DIM), jnp.float32),
            pltpu.SemaphoreType.DMA,
            pltpu.SemaphoreType.DMA,
        ],
        name="cls_gather_sc",
    )(label, cls_ctx)


KB2 = 1024
NB2 = BATCH // KB2


def _tc_fill_const_body(t_ref, out_ref):
    out_ref[...] = jnp.broadcast_to(t_ref[...], (1, BATCH, CTX_DIM))


def _tc_fill_const(tmpl73):
    def smap(s):
        return jnp.where(s < HEAD, s, s + N_CLS_CTX)
    return pl.pallas_call(
        _tc_fill_const_body,
        grid=(SEQ - N_CLS_CTX,),
        in_specs=[pl.BlockSpec((1, 1, CTX_DIM), lambda s: (s, 0, 0))],
        out_specs=pl.BlockSpec((1, BATCH, CTX_DIM),
                               lambda s: (smap(s), 0, 0)),
        out_shape=jax.ShapeDtypeStruct((SEQ, BATCH, CTX_DIM), jnp.float32),
        compiler_params=pltpu.CompilerParams(
            dimension_semantics=("arbitrary",)),
        name="prompt_fill_const_tc",
    )(tmpl73)


def _tc_fill_cls_body(cls_ref, filled_any, out_any, scr, wsem):
    i = pl.program_id(0)

    def store_desc(step):
        return pltpu.make_async_copy(
            scr.at[step % 2],
            out_any.at[pl.ds(ROW_CLS, N_CLS_CTX), pl.ds(step * KB2, KB2)],
            wsem)

    @pl.when(i % 2 == 0)
    def _x0():
        for r in range(N_CLS_CTX):
            scr[0, r:r + 1] = cls_ref[:, r, :][None]

    @pl.when(i % 2 == 1)
    def _x1():
        for r in range(N_CLS_CTX):
            scr[1, r:r + 1] = cls_ref[:, r, :][None]

    @pl.when(i >= 2)
    def _drain_prev():
        store_desc(i - 2).wait()

    store_desc(i).start()

    @pl.when(i == NB2 - 1)
    def _drain_last():
        store_desc(i - 1).wait()
        store_desc(i).wait()


def _tc_fill_cls(cls_g, filled):
    return pl.pallas_call(
        _tc_fill_cls_body,
        grid=(NB2,),
        in_specs=[
            pl.BlockSpec((KB2, N_CLS_CTX, CTX_DIM), lambda i: (i, 0, 0)),
            pl.BlockSpec(memory_space=pl.ANY),
        ],
        out_specs=pl.BlockSpec(memory_space=pl.ANY),
        out_shape=jax.ShapeDtypeStruct((SEQ, BATCH, CTX_DIM), jnp.float32),
        input_output_aliases={1: 0},
        scratch_shapes=[
            pltpu.VMEM((2, N_CLS_CTX, KB2, CTX_DIM), jnp.float32),
            pltpu.SemaphoreType.DMA,
        ],
        compiler_params=pltpu.CompilerParams(
            dimension_semantics=("arbitrary",)),
        name="prompt_fill_cls_tc",
    )(cls_g, filled)


def kernel(label, cls_ctx, token_prefix, token_suffix, prefix_prompt,
           suffix_prompt):
    cls_g = _sc_gather(label, cls_ctx)
    tmpl73 = jnp.concatenate(
        [token_prefix.reshape(1, CTX_DIM),
         prefix_prompt.reshape(PROMPT_LEN, CTX_DIM),
         suffix_prompt.reshape(PROMPT_LEN, CTX_DIM),
         token_suffix.reshape(SUFFIX_LEN, CTX_DIM)], axis=0).reshape(
             SEQ - N_CLS_CTX, 1, CTX_DIM)
    filled = _tc_fill_const(tmpl73)
    out_p = _tc_fill_cls(cls_g, filled)
    return out_p.transpose(1, 0, 2)

# --- scband reference (transcript-rebuilt; emitter-appended) ---
"""Pipeline reference for scband-prompt-learner-learnable-88510686036181 (READ-ONLY COPY).

The authoritative reference and input builder live on the scoring server;
editing this copy changes nothing except your own understanding.
"""

import jax, jax.numpy as jnp
import numpy as np

NUM_CLASS = 100000
BATCH = 4096
CTX_DIM = 512
N_CLS_CTX = 4
PROMPT_LEN = 4
CLIP_CTX_LEN = 77
SUFFIX_LEN = CLIP_CTX_LEN - (2 * PROMPT_LEN + 1 + N_CLS_CTX)  # 64


def setup_inputs(seed: int = 0) -> dict:
    key = jax.random.key(seed)
    k1, k2, k3, k4, k5, k6 = jax.random.split(key, 6)
    label = jax.random.randint(k1, (BATCH,), 0, NUM_CLASS, dtype=jnp.int64 if jax.config.jax_enable_x64 else jnp.int32).astype(jnp.int32)
    cls_ctx = jax.random.normal(k2, (NUM_CLASS, N_CLS_CTX, CTX_DIM), dtype=jnp.float32) * 0.02
    token_prefix = jax.random.normal(k3, (1, 1, CTX_DIM), dtype=jnp.float32)
    token_suffix = jax.random.normal(k4, (1, SUFFIX_LEN, CTX_DIM), dtype=jnp.float32)
    prefix_prompt = jax.random.normal(k5, (1, PROMPT_LEN, CTX_DIM), dtype=jnp.float32) * 0.02
    suffix_prompt = jax.random.normal(k6, (1, PROMPT_LEN, CTX_DIM), dtype=jnp.float32) * 0.02
    return {
        "label": label,
        "cls_ctx": cls_ctx,
        "token_prefix": token_prefix,
        "token_suffix": token_suffix,
        "prefix_prompt": prefix_prompt,
        "suffix_prompt": suffix_prompt,
    }


def reference(label, cls_ctx, token_prefix, token_suffix, prefix_prompt, suffix_prompt):
    b = label.shape[0]
    # embedding lookup of per-class context vectors (gather)
    cls = jnp.take(cls_ctx, label, axis=0)  # [b, n_cls_ctx, ctx_dim]
    prefix = jnp.broadcast_to(token_prefix, (b, token_prefix.shape[1], token_prefix.shape[2]))
    suffix = jnp.broadcast_to(token_suffix, (b, token_suffix.shape[1], token_suffix.shape[2]))
    pre_p = jnp.broadcast_to(prefix_prompt, (b, prefix_prompt.shape[1], prefix_prompt.shape[2]))
    suf_p = jnp.broadcast_to(suffix_prompt, (b, suffix_prompt.shape[1], suffix_prompt.shape[2]))
    prompts = jnp.concatenate([prefix, pre_p, cls, suf_p, suffix], axis=1)
    return prompts

if __name__ == "__main__":
    import jax
    _d = setup_inputs()
    print(jax.jit(kernel)(*tuple(_d.values())))

</pallas_src>

<mosaic_0001>
#map = affine_map<(d0, d1) -> (0)>
#map1 = affine_map<(d0, d1) -> (0, 0, 0)>
module attributes {stable_mosaic.version = 14 : i64} {
  func.func @cls_gather_sc(%arg0: i32, %arg1: i32, %arg2: memref<4096xi32, #tpu.memory_space<hbm>>, %arg3: memref<100000x4x512xf32, #tpu.memory_space<hbm>>, %arg4: memref<4096x4x512xf32, #tpu.memory_space<hbm>>, %arg5: memref<128xi32, #tpu.memory_space<vmem>>, %arg6: memref<16x4x512xf32, #tpu.memory_space<vmem>>, %arg7: memref<16x4x512xf32, #tpu.memory_space<vmem>>, %arg8: memref<!tpu.dma_semaphore, #tpu.memory_space<semaphore_mem>>, %arg9: memref<!tpu.dma_semaphore, #tpu.memory_space<semaphore_mem>>) attributes {dimension_semantics = [#tpu.dimension_semantics<core_parallel>, #tpu.dimension_semantics<subcore_parallel>], iteration_bounds = array<i64: 2, 16>, scalar_prefetch = 0 : i64, scratch_operands = 5 : i64, tpu.core_type = #tpu.core_type<sc_vector_subcore>, window_params = [{transform_indices = #map}, {transform_indices = #map1}, {transform_indices = #map1}]} {
    %mul3A = arith.constant 2 : i32
    %mul3A_0 = arith.muli %arg1, %mul3A : i32
    %add3A = arith.addi %mul3A_0, %arg0 : i32
    %mul3A_1 = arith.constant 128 : i32
    %mul3A_2 = arith.muli %add3A, %mul3A_1 : i32
    "tpu.region"() ({
      %run_scoped3A = tpu.sem_alloc : memref<!tpu.dma_semaphore, #tpu.memory_space<semaphore_mem>>
      %dma_start3A_209 = tpu.memref_slice %arg2[%mul3A_2] : memref<4096xi32, #tpu.memory_space<hbm>> -> memref<128xi32, #tpu.memory_space<hbm>>
      %dma_start3A_210 = tpu.memref_slice %arg2[%mul3A_2] : memref<4096xi32, #tpu.memory_space<hbm>> -> memref<128xi32, #tpu.memory_space<hbm>>
      tpu.enqueue_dma source(%dma_start3A_210 : memref<128xi32, #tpu.memory_space<hbm>>) target(%arg5 : memref<128xi32, #tpu.memory_space<vmem>>) target_semaphore(%run_scoped3A : memref<!tpu.dma_semaphore, #tpu.memory_space<semaphore_mem>>)
      %dma_wait3A_211 = tpu.memref_slice %arg2[%mul3A_2] : memref<4096xi32, #tpu.memory_space<hbm>> -> memref<128xi32, #tpu.memory_space<hbm>>
      %dma_wait3A_212 = tpu.memref_slice %arg2[%mul3A_2] : memref<4096xi32, #tpu.memory_space<hbm>> -> memref<128xi32, #tpu.memory_space<hbm>>
      tpu.wait_dma2 semaphore(%run_scoped3A : memref<!tpu.dma_semaphore, #tpu.memory_space<semaphore_mem>>) src(%dma_wait3A_212 : memref<128xi32, #tpu.memory_space<hbm>>) dst(%arg5 : memref<128xi32, #tpu.memory_space<vmem>>)
      tpu.yield
    }) : () -> ()
    %dma_start3A = arith.constant 0 : i32
    %dma_start3A_3 = tpu.memref_slice %arg5[%dma_start3A] : memref<128xi32, #tpu.memory_space<vmem>> -> memref<16xi32, #tpu.memory_space<vmem>>
    %dma_start3A_4 = arith.constant 0 : i32
    %dma_start3A_5 = arith.constant 0 : i32
    %dma_start3A_6 = arith.constant 0 : i32
    %dma_start3A_7 = tpu.memref_slice %arg3[%dma_start3A_4, %dma_start3A_5, %dma_start3A_6] : memref<100000x4x512xf32, #tpu.memory_space<hbm>> -> memref<100000x4x512xf32, #tpu.memory_space<hbm>>
    tpu.enqueue_indirect_dma source(%dma_start3A_7 : memref<100000x4x512xf32, #tpu.memory_space<hbm>>) target(%arg6 : memref<16x4x512xf32, #tpu.memory_space<vmem>>) offsets(%dma_start3A_3 : memref<16xi32, #tpu.memory_space<vmem>>) semaphore(%arg8 : memref<!tpu.dma_semaphore, #tpu.memory_space<semaphore_mem>>)
    %dma_start3A_8 = arith.constant 16 : i32
    %dma_start3A_9 = tpu.memref_slice %arg5[%dma_start3A_8] : memref<128xi32, #tpu.memory_space<vmem>> -> memref<16xi32, #tpu.memory_space<vmem>>
    %dma_start3A_10 = arith.constant 0 : i32
    %dma_start3A_11 = arith.constant 0 : i32
    %dma_start3A_12 = arith.constant 0 : i32
    %dma_start3A_13 = tpu.memref_slice %arg3[%dma_start3A_10, %dma_start3A_11, %dma_start3A_12] : memref<100000x4x512xf32, #tpu.memory_space<hbm>> -> memref<100000x4x512xf32, #tpu.memory_space<hbm>>
    tpu.enqueue_indirect_dma source(%dma_start3A_13 : memref<100000x4x512xf32, #tpu.memory_space<hbm>>) target(%arg7 : memref<16x4x512xf32, #tpu.memory_space<vmem>>) offsets(%dma_start3A_9 : memref<16xi32, #tpu.memory_space<vmem>>) semaphore(%arg8 : memref<!tpu.dma_semaphore, #tpu.memory_space<semaphore_mem>>)
    %dma_wait3A = arith.constant 0 : i32
    %dma_wait3A_14 = tpu.memref_slice %arg5[%dma_wait3A] : memref<128xi32, #tpu.memory_space<vmem>> -> memref<16xi32, #tpu.memory_space<vmem>>
    %dma_wait3A_15 = arith.constant 0 : i32
    %dma_wait3A_16 = arith.constant 0 : i32
    %dma_wait3A_17 = arith.constant 0 : i32
    %dma_wait3A_18 = tpu.memref_slice %arg3[%dma_wait3A_15, %dma_wait3A_16, %dma_wait3A_17] : memref<100000x4x512xf32, #tpu.memory_space<hbm>> -> memref<100000x4x512xf32, #tpu.memory_space<hbm>>
    tpu.wait_indirect_dma semaphore(%arg8 : memref<!tpu.dma_semaphore, #tpu.memory_space<semaphore_mem>>) src(%dma_wait3A_18 : memref<100000x4x512xf32, #tpu.memory_space<hbm>>) dst(%arg6 : memref<16x4x512xf32, #tpu.memory_space<vmem>>)
    %add3A_19 = arith.constant 0 : i32
    %add3A_20 = arith.addi %mul3A_2, %add3A_19 : i32
    %dma_start3A_21 = arith.constant 0 : i32
    %dma_start3A_22 = arith.constant 0 : i32
    %dma_start3A_23 = tpu.memref_slice %arg4[%add3A_20, %dma_start3A_21, %dma_start3A_22] : memref<4096x4x512xf32, #tpu.memory_space<hbm>> -> memref<16x4x512xf32, #tpu.memory_space<hbm>>
    %dma_start3A_24 = arith.constant 0 : i32
    %dma_start3A_25 = arith.constant 0 : i32
    %dma_start3A_26 = tpu.memref_slice %arg4[%add3A_20, %dma_start3A_24, %dma_start3A_25] : memref<4096x4x512xf32, #tpu.memory_space<hbm>> -> memref<16x4x512xf32, #tpu.memory_space<hbm>>
    tpu.enqueue_dma source(%arg6 : memref<16x4x512xf32, #tpu.memory_space<vmem>>) target(%dma_start3A_26 : memref<16x4x512xf32, #tpu.memory_space<hbm>>) target_semaphore(%arg9 : memref<!tpu.dma_semaphore, #tpu.memory_space<semaphore_mem>>)
    %dma_wait3A_27 = arith.constant 0 : i32
    %dma_wait3A_28 = arith.constant 0 : i32
    %dma_wait3A_29 = tpu.memref_slice %arg4[%add3A_20, %dma_wait3A_27, %dma_wait3A_28] : memref<4096x4x512xf32, #tpu.memory_space<hbm>> -> memref<16x4x512xf32, #tpu.memory_space<hbm>>
    %dma_wait3A_30 = arith.constant 0 : i32
    %dma_wait3A_31 = arith.constant 0 : i32
    %dma_wait3A_32 = tpu.memref_slice %arg4[%add3A_20, %dma_wait3A_30, %dma_wait3A_31] : memref<4096x4x512xf32, #tpu.memory_space<hbm>> -> memref<16x4x512xf32, #tpu.memory_space<hbm>>
    tpu.wait_dma2 semaphore(%arg9 : memref<!tpu.dma_semaphore, #tpu.memory_space<semaphore_mem>>) src(%arg6 : memref<16x4x512xf32, #tpu.memory_space<vmem>>) dst(%dma_wait3A_32 : memref<16x4x512xf32, #tpu.memory_space<hbm>>)
    %dma_start3A_33 = arith.constant 32 : i32
    %dma_start3A_34 = tpu.memref_slice %arg5[%dma_start3A_33] : memref<128xi32, #tpu.memory_space<vmem>> -> memref<16xi32, #tpu.memory_space<vmem>>
    %dma_start3A_35 = arith.constant 0 : i32
    %dma_start3A_36 = arith.constant 0 : i32
    %dma_start3A_37 = arith.constant 0 : i32
    %dma_start3A_38 = tpu.memref_slice %arg3[%dma_start3A_35, %dma_start3A_36, %dma_start3A_37] : memref<100000x4x512xf32, #tpu.memory_space<hbm>> -> memref<100000x4x512xf32, #tpu.memory_space<hbm>>
    tpu.enqueue_indirect_dma source(%dma_start3A_38 : memref<100000x4x512xf32, #tpu.memory_space<hbm>>) target(%arg6 : memref<16x4x512xf32, #tpu.memory_space<vmem>>) offsets(%dma_start3A_34 : memref<16xi32, #tpu.memory_space<vmem>>) semaphore(%arg8 : memref<!tpu.dma_semaphore, #tpu.memory_space<semaphore_mem>>)
    %dma_wait3A_39 = arith.constant 16 : i32
    %dma_wait3A_40 = tpu.memref_slice %arg5[%dma_wait3A_39] : memref<128xi32, #tpu.memory_space<vmem>> -> memref<16xi32, #tpu.memory_space<vmem>>
    %dma_wait3A_41 = arith.constant 0 : i32
    %dma_wait3A_42 = arith.constant 0 : i32
    %dma_wait3A_43 = arith.constant 0 : i32
    %dma_wait3A_44 = tpu.memref_slice %arg3[%dma_wait3A_41, %dma_wait3A_42, %dma_wait3A_43] : memref<100000x4x512xf32, #tpu.memory_space<hbm>> -> memref<100000x4x512xf32, #tpu.memory_space<hbm>>
    tpu.wait_indirect_dma semaphore(%arg8 : memref<!tpu.dma_semaphore, #tpu.memory_space<semaphore_mem>>) src(%dma_wait3A_44 : memref<100000x4x512xf32, #tpu.memory_space<hbm>>) dst(%arg7 : memref<16x4x512xf32, #tpu.memory_space<vmem>>)
    %add3A_45 = arith.constant 16 : i32
    %add3A_46 = arith.addi %mul3A_2, %add3A_45 : i32
    %dma_start3A_47 = arith.constant 0 : i32
    %dma_start3A_48 = arith.constant 0 : i32
    %dma_start3A_49 = tpu.memref_slice %arg4[%add3A_46, %dma_start3A_47, %dma_start3A_48] : memref<4096x4x512xf32, #tpu.memory_space<hbm>> -> memref<16x4x512xf32, #tpu.memory_space<hbm>>
    %dma_start3A_50 = arith.constant 0 : i32
    %dma_start3A_51 = arith.constant 0 : i32
    %dma_start3A_52 = tpu.memref_slice %arg4[%add3A_46, %dma_start3A_50, %dma_start3A_51] : memref<4096x4x512xf32, #tpu.memory_space<hbm>> -> memref<16x4x512xf32, #tpu.memory_space<hbm>>
    tpu.enqueue_dma source(%arg7 : memref<16x4x512xf32, #tpu.memory_space<vmem>>) target(%dma_start3A_52 : memref<16x4x512xf32, #tpu.memory_space<hbm>>) target_semaphore(%arg9 : memref<!tpu.dma_semaphore, #tpu.memory_space<semaphore_mem>>)
    %dma_wait3A_53 = arith.constant 0 : i32
    %dma_wait3A_54 = arith.constant 0 : i32
    %dma_wait3A_55 = tpu.memref_slice %arg4[%add3A_46, %dma_wait3A_53, %dma_wait3A_54] : memref<4096x4x512xf32, #tpu.memory_space<hbm>> -> memref<16x4x512xf32, #tpu.memory_space<hbm>>
    %dma_wait3A_56 = arith.constant 0 : i32
    %dma_wait3A_57 = arith.constant 0 : i32
    %dma_wait3A_58 = tpu.memref_slice %arg4[%add3A_46, %dma_wait3A_56, %dma_wait3A_57] : memref<4096x4x512xf32, #tpu.memory_space<hbm>> -> memref<16x4x512xf32, #tpu.memory_space<hbm>>
    tpu.wait_dma2 semaphore(%arg9 : memref<!tpu.dma_semaphore, #tpu.memory_space<semaphore_mem>>) src(%arg7 : memref<16x4x512xf32, #tpu.memory_space<vmem>>) dst(%dma_wait3A_58 : memref<16x4x512xf32, #tpu.memory_space<hbm>>)
    %dma_start3A_59 = arith.constant 48 : i32
    %dma_start3A_60 = tpu.memref_slice %arg5[%dma_start3A_59] : memref<128xi32, #tpu.memory_space<vmem>> -> memref<16xi32, #tpu.memory_space<vmem>>
    %dma_start3A_61 = arith.constant 0 : i32
    %dma_start3A_62 = arith.constant 0 : i32
    %dma_start3A_63 = arith.constant 0 : i32
    %dma_start3A_64 = tpu.memref_slice %arg3[%dma_start3A_61, %dma_start3A_62, %dma_start3A_63] : memref<100000x4x512xf32, #tpu.memory_space<hbm>> -> memref<100000x4x512xf32, #tpu.memory_space<hbm>>
    tpu.enqueue_indirect_dma source(%dma_start3A_64 : memref<100000x4x512xf32, #tpu.memory_space<hbm>>) target(%arg7 : memref<16x4x512xf32, #tpu.memory_space<vmem>>) offsets(%dma_start3A_60 : memref<16xi32, #tpu.memory_space<vmem>>) semaphore(%arg8 : memref<!tpu.dma_semaphore, #tpu.memory_space<semaphore_mem>>)
    %dma_wait3A_65 = arith.constant 32 : i32
    %dma_wait3A_66 = tpu.memref_slice %arg5[%dma_wait3A_65] : memref<128xi32, #tpu.memory_space<vmem>> -> memref<16xi32, #tpu.memory_space<vmem>>
    %dma_wait3A_67 = arith.constant 0 : i32
    %dma_wait3A_68 = arith.constant 0 : i32
    %dma_wait3A_69 = arith.constant 0 : i32
    %dma_wait3A_70 = tpu.memref_slice %arg3[%dma_wait3A_67, %dma_wait3A_68, %dma_wait3A_69] : memref<100000x4x512xf32, #tpu.memory_space<hbm>> -> memref<100000x4x512xf32, #tpu.memory_space<hbm>>
    tpu.wait_indirect_dma semaphore(%arg8 : memref<!tpu.dma_semaphore, #tpu.memory_space<semaphore_mem>>) src(%dma_wait3A_70 : memref<100000x4x512xf32, #tpu.memory_space<hbm>>) dst(%arg6 : memref<16x4x512xf32, #tpu.memory_space<vmem>>)
    %add3A_71 = arith.constant 32 : i32
    %add3A_72 = arith.addi %mul3A_2, %add3A_71 : i32
    %dma_start3A_73 = arith.constant 0 : i32
    %dma_start3A_74 = arith.constant 0 : i32
    %dma_start3A_75 = tpu.memref_slice %arg4[%add3A_72, %dma_start3A_73, %dma_start3A_74] : memref<4096x4x512xf32, #tpu.memory_space<hbm>> -> memref<16x4x512xf32, #tpu.memory_space<hbm>>
    %dma_start3A_76 = arith.constant 0 : i32
    %dma_start3A_77 = arith.constant 0 : i32
    %dma_start3A_78 = tpu.memref_slice %arg4[%add3A_72, %dma_start3A_76, %dma_start3A_77] : memref<4096x4x512xf32, #tpu.memory_space<hbm>> -> memref<16x4x512xf32, #tpu.memory_space<hbm>>
    tpu.enqueue_dma source(%arg6 : memref<16x4x512xf32, #tpu.memory_space<vmem>>) target(%dma_start3A_78 : memref<16x4x512xf32, #tpu.memory_space<hbm>>) target_semaphore(%arg9 : memref<!tpu.dma_semaphore, #tpu.memory_space<semaphore_mem>>)
    %dma_wait3A_79 = arith.constant 0 : i32
    %dma_wait3A_80 = arith.constant 0 : i32
    %dma_wait3A_81 = tpu.memref_slice %arg4[%add3A_72, %dma_wait3A_79, %dma_wait3A_80] : memref<4096x4x512xf32, #tpu.memory_space<hbm>> -> memref<16x4x512xf32, #tpu.memory_space<hbm>>
    %dma_wait3A_82 = arith.constant 0 : i32
    %dma_wait3A_83 = arith.constant 0 : i32
    %dma_wait3A_84 = tpu.memref_slice %arg4[%add3A_72, %dma_wait3A_82, %dma_wait3A_83] : memref<4096x4x512xf32, #tpu.memory_space<hbm>> -> memref<16x4x512xf32, #tpu.memory_space<hbm>>
    tpu.wait_dma2 semaphore(%arg9 : memref<!tpu.dma_semaphore, #tpu.memory_space<semaphore_mem>>) src(%arg6 : memref<16x4x512xf32, #tpu.memory_space<vmem>>) dst(%dma_wait3A_84 : memref<16x4x512xf32, #tpu.memory_space<hbm>>)
    %dma_start3A_85 = arith.constant 64 : i32
    %dma_start3A_86 = tpu.memref_slice %arg5[%dma_start3A_85] : memref<128xi32, #tpu.memory_space<vmem>> -> memref<16xi32, #tpu.memory_space<vmem>>
    %dma_start3A_87 = arith.constant 0 : i32
    %dma_start3A_88 = arith.constant 0 : i32
    %dma_start3A_89 = arith.constant 0 : i32
    %dma_start3A_90 = tpu.memref_slice %arg3[%dma_start3A_87, %dma_start3A_88, %dma_start3A_89] : memref<100000x4x512xf32, #tpu.memory_space<hbm>> -> memref<100000x4x512xf32, #tpu.memory_space<hbm>>
    tpu.enqueue_indirect_dma source(%dma_start3A_90 : memref<100000x4x512xf32, #tpu.memory_space<hbm>>) target(%arg6 : memref<16x4x512xf32, #tpu.memory_space<vmem>>) offsets(%dma_start3A_86 : memref<16xi32, #tpu.memory_space<vmem>>) semaphore(%arg8 : memref<!tpu.dma_semaphore, #tpu.memory_space<semaphore_mem>>)
    %dma_wait3A_91 = arith.constant 48 : i32
    %dma_wait3A_92 = tpu.memref_slice %arg5[%dma_wait3A_91] : memref<128xi32, #tpu.memory_space<vmem>> -> memref<16xi32, #tpu.memory_space<vmem>>
    %dma_wait3A_93 = arith.constant 0 : i32
    %dma_wait3A_94 = arith.constant 0 : i32
    %dma_wait3A_95 = arith.constant 0 : i32
    %dma_wait3A_96 = tpu.memref_slice %arg3[%dma_wait3A_93, %dma_wait3A_94, %dma_wait3A_95] : memref<100000x4x512xf32, #tpu.memory_space<hbm>> -> memref<100000x4x512xf32, #tpu.memory_space<hbm>>
    tpu.wait_indirect_dma semaphore(%arg8 : memref<!tpu.dma_semaphore, #tpu.memory_space<semaphore_mem>>) src(%dma_wait3A_96 : memref<100000x4x512xf32, #tpu.memory_space<hbm>>) dst(%arg7 : memref<16x4x512xf32, #tpu.memory_space<vmem>>)
    %add3A_97 = arith.constant 48 : i32
    %add3A_98 = arith.addi %mul3A_2, %add3A_97 : i32
    %dma_start3A_99 = arith.constant 0 : i32
    %dma_start3A_100 = arith.constant 0 : i32
    %dma_start3A_101 = tpu.memref_slice %arg4[%add3A_98, %dma_start3A_99, %dma_start3A_100] : memref<4096x4x512xf32, #tpu.memory_space<hbm>> -> memref<16x4x512xf32, #tpu.memory_space<hbm>>
    %dma_start3A_102 = arith.constant 0 : i32
    %dma_start3A_103 = arith.constant 0 : i32
    %dma_start3A_104 = tpu.memref_slice %arg4[%add3A_98, %dma_start3A_102, %dma_start3A_103] : memref<4096x4x512xf32, #tpu.memory_space<hbm>> -> memref<16x4x512xf32, #tpu.memory_space<hbm>>
    tpu.enqueue_dma source(%arg7 : memref<16x4x512xf32, #tpu.memory_space<vmem>>) target(%dma_start3A_104 : memref<16x4x512xf32, #tpu.memory_space<hbm>>) target_semaphore(%arg9 : memref<!tpu.dma_semaphore, #tpu.memory_space<semaphore_mem>>)
    %dma_wait3A_105 = arith.constant 0 : i32
    %dma_wait3A_106 = arith.constant 0 : i32
    %dma_wait3A_107 = tpu.memref_slice %arg4[%add3A_98, %dma_wait3A_105, %dma_wait3A_106] : memref<4096x4x512xf32, #tpu.memory_space<hbm>> -> memref<16x4x512xf32, #tpu.memory_space<hbm>>
    %dma_wait3A_108 = arith.constant 0 : i32
    %dma_wait3A_109 = arith.constant 0 : i32
    %dma_wait3A_110 = tpu.memref_slice %arg4[%add3A_98, %dma_wait3A_108, %dma_wait3A_109] : memref<4096x4x512xf32, #tpu.memory_space<hbm>> -> memref<16x4x512xf32, #tpu.memory_space<hbm>>
    tpu.wait_dma2 semaphore(%arg9 : memref<!tpu.dma_semaphore, #tpu.memory_space<semaphore_mem>>) src(%arg7 : memref<16x4x512xf32, #tpu.memory_space<vmem>>) dst(%dma_wait3A_110 : memref<16x4x512xf32, #tpu.memory_space<hbm>>)
    %dma_start3A_111 = arith.constant 80 : i32
    %dma_start3A_112 = tpu.memref_slice %arg5[%dma_start3A_111] : memref<128xi32, #tpu.memory_space<vmem>> -> memref<16xi32, #tpu.memory_space<vmem>>
    %dma_start3A_113 = arith.constant 0 : i32
    %dma_start3A_114 = arith.constant 0 : i32
    %dma_start3A_115 = arith.constant 0 : i32
    %dma_start3A_116 = tpu.memref_slice %arg3[%dma_start3A_113, %dma_start3A_114, %dma_start3A_115] : memref<100000x4x512xf32, #tpu.memory_space<hbm>> -> memref<100000x4x512xf32, #tpu.memory_space<hbm>>
    tpu.enqueue_indirect_dma source(%dma_start3A_116 : memref<100000x4x512xf32, #tpu.memory_space<hbm>>) target(%arg7 : memref<16x4x512xf32, #tpu.memory_space<vmem>>) offsets(%dma_start3A_112 : memref<16xi32, #tpu.memory_space<vmem>>) semaphore(%arg8 : memref<!tpu.dma_semaphore, #tpu.memory_space<semaphore_mem>>)
    %dma_wait3A_117 = arith.constant 64 : i32
    %dma_wait3A_118 = tpu.memref_slice %arg5[%dma_wait3A_117] : memref<128xi32, #tpu.memory_space<vmem>> -> memref<16xi32, #tpu.memory_space<vmem>>
    %dma_wait3A_119 = arith.constant 0 : i32
    %dma_wait3A_120 = arith.constant 0 : i32
    %dma_wait3A_121 = arith.constant 0 : i32
    %dma_wait3A_122 = tpu.memref_slice %arg3[%dma_wait3A_119, %dma_wait3A_120, %dma_wait3A_121] : memref<100000x4x512xf32, #tpu.memory_space<hbm>> -> memref<100000x4x512xf32, #tpu.memory_space<hbm>>
    tpu.wait_indirect_dma semaphore(%arg8 : memref<!tpu.dma_semaphore, #tpu.memory_space<semaphore_mem>>) src(%dma_wait3A_122 : memref<100000x4x512xf32, #tpu.memory_space<hbm>>) dst(%arg6 : memref<16x4x512xf32, #tpu.memory_space<vmem>>)
    %add3A_123 = arith.constant 64 : i32
    %add3A_124 = arith.addi %mul3A_2, %add3A_123 : i32
    %dma_start3A_125 = arith.constant 0 : i32
    %dma_start3A_126 = arith.constant 0 : i32
    %dma_start3A_127 = tpu.memref_slice %arg4[%add3A_124, %dma_start3A_125, %dma_start3A_126] : memref<4096x4x512xf32, #tpu.memory_space<hbm>> -> memref<16x4x512xf32, #tpu.memory_space<hbm>>
    %dma_start3A_128 = arith.constant 0 : i32
    %dma_start3A_129 = arith.constant 0 : i32
    %dma_start3A_130 = tpu.memref_slice %arg4[%add3A_124, %dma_start3A_128, %dma_start3A_129] : memref<4096x4x512xf32, #tpu.memory_space<hbm>> -> memref<16x4x512xf32, #tpu.memory_space<hbm>>
    tpu.enqueue_dma source(%arg6 : memref<16x4x512xf32, #tpu.memory_space<vmem>>) target(%dma_start3A_130 : memref<16x4x512xf32, #tpu.memory_space<hbm>>) target_semaphore(%arg9 : memref<!tpu.dma_semaphore, #tpu.memory_space<semaphore_mem>>)
    %dma_wait3A_131 = arith.constant 0 : i32
    %dma_wait3A_132 = arith.constant 0 : i32
    %dma_wait3A_133 = tpu.memref_slice %arg4[%add3A_124, %dma_wait3A_131, %dma_wait3A_132] : memref<4096x4x512xf32, #tpu.memory_space<hbm>> -> memref<16x4x512xf32, #tpu.memory_space<hbm>>
    %dma_wait3A_134 = arith.constant 0 : i32
    %dma_wait3A_135 = arith.constant 0 : i32
    %dma_wait3A_136 = tpu.memref_slice %arg4[%add3A_124, %dma_wait3A_134, %dma_wait3A_135] : memref<4096x4x512xf32, #tpu.memory_space<hbm>> -> memref<16x4x512xf32, #tpu.memory_space<hbm>>
    tpu.wait_dma2 semaphore(%arg9 : memref<!tpu.dma_semaphore, #tpu.memory_space<semaphore_mem>>) src(%arg6 : memref<16x4x512xf32, #tpu.memory_space<vmem>>) dst(%dma_wait3A_136 : memref<16x4x512xf32, #tpu.memory_space<hbm>>)
    %dma_start3A_137 = arith.constant 96 : i32
    %dma_start3A_138 = tpu.memref_slice %arg5[%dma_start3A_137] : memref<128xi32, #tpu.memory_space<vmem>> -> memref<16xi32, #tpu.memory_space<vmem>>
    %dma_start3A_139 = arith.constant 0 : i32
    %dma_start3A_140 = arith.constant 0 : i32
    %dma_start3A_141 = arith.constant 0 : i32
    %dma_start3A_142 = tpu.memref_slice %arg3[%dma_start3A_139, %dma_start3A_140, %dma_start3A_141] : memref<100000x4x512xf32, #tpu.memory_space<hbm>> -> memref<100000x4x512xf32, #tpu.memory_space<hbm>>
    tpu.enqueue_indirect_dma source(%dma_start3A_142 : memref<100000x4x512xf32, #tpu.memory_space<hbm>>) target(%arg6 : memref<16x4x512xf32, #tpu.memory_space<vmem>>) offsets(%dma_start3A_138 : memref<16xi32, #tpu.memory_space<vmem>>) semaphore(%arg8 : memref<!tpu.dma_semaphore, #tpu.memory_space<semaphore_mem>>)
    %dma_wait3A_143 = arith.constant 80 : i32
    %dma_wait3A_144 = tpu.memref_slice %arg5[%dma_wait3A_143] : memref<128xi32, #tpu.memory_space<vmem>> -> memref<16xi32, #tpu.memory_space<vmem>>
    %dma_wait3A_145 = arith.constant 0 : i32
    %dma_wait3A_146 = arith.constant 0 : i32
    %dma_wait3A_147 = arith.constant 0 : i32
    %dma_wait3A_148 = tpu.memref_slice %arg3[%dma_wait3A_145, %dma_wait3A_146, %dma_wait3A_147] : memref<100000x4x512xf32, #tpu.memory_space<hbm>> -> memref<100000x4x512xf32, #tpu.memory_space<hbm>>
    tpu.wait_indirect_dma semaphore(%arg8 : memref<!tpu.dma_semaphore, #tpu.memory_space<semaphore_mem>>) src(%dma_wait3A_148 : memref<100000x4x512xf32, #tpu.memory_space<hbm>>) dst(%arg7 : memref<16x4x512xf32, #tpu.memory_space<vmem>>)
    %add3A_149 = arith.constant 80 : i32
    %add3A_150 = arith.addi %mul3A_2, %add3A_149 : i32
    %dma_start3A_151 = arith.constant 0 : i32
    %dma_start3A_152 = arith.constant 0 : i32
    %dma_start3A_153 = tpu.memref_slice %arg4[%add3A_150, %dma_start3A_151, %dma_start3A_152] : memref<4096x4x512xf32, #tpu.memory_space<hbm>> -> memref<16x4x512xf32, #tpu.memory_space<hbm>>
    %dma_start3A_154 = arith.constant 0 : i32
    %dma_start3A_155 = arith.constant 0 : i32
    %dma_start3A_156 = tpu.memref_slice %arg4[%add3A_150, %dma_start3A_154, %dma_start3A_155] : memref<4096x4x512xf32, #tpu.memory_space<hbm>> -> memref<16x4x512xf32, #tpu.memory_space<hbm>>
    tpu.enqueue_dma source(%arg7 : memref<16x4x512xf32, #tpu.memory_space<vmem>>) target(%dma_start3A_156 : memref<16x4x512xf32, #tpu.memory_space<hbm>>) target_semaphore(%arg9 : memref<!tpu.dma_semaphore, #tpu.memory_space<semaphore_mem>>)
    %dma_wait3A_157 = arith.constant 0 : i32
    %dma_wait3A_158 = arith.constant 0 : i32
    %dma_wait3A_159 = tpu.memref_slice %arg4[%add3A_150, %dma_wait3A_157, %dma_wait3A_158] : memref<4096x4x512xf32, #tpu.memory_space<hbm>> -> memref<16x4x512xf32, #tpu.memory_space<hbm>>
    %dma_wait3A_160 = arith.constant 0 : i32
    %dma_wait3A_161 = arith.constant 0 : i32
    %dma_wait3A_162 = tpu.memref_slice %arg4[%add3A_150, %dma_wait3A_160, %dma_wait3A_161] : memref<4096x4x512xf32, #tpu.memory_space<hbm>> -> memref<16x4x512xf32, #tpu.memory_space<hbm>>
    tpu.wait_dma2 semaphore(%arg9 : memref<!tpu.dma_semaphore, #tpu.memory_space<semaphore_mem>>) src(%arg7 : memref<16x4x512xf32, #tpu.memory_space<vmem>>) dst(%dma_wait3A_162 : memref<16x4x512xf32, #tpu.memory_space<hbm>>)
    %dma_start3A_163 = arith.constant 112 : i32
    %dma_start3A_164 = tpu.memref_slice %arg5[%dma_start3A_163] : memref<128xi32, #tpu.memory_space<vmem>> -> memref<16xi32, #tpu.memory_space<vmem>>
    %dma_start3A_165 = arith.constant 0 : i32
    %dma_start3A_166 = arith.constant 0 : i32
    %dma_start3A_167 = arith.constant 0 : i32
    %dma_start3A_168 = tpu.memref_slice %arg3[%dma_start3A_165, %dma_start3A_166, %dma_start3A_167] : memref<100000x4x512xf32, #tpu.memory_space<hbm>> -> memref<100000x4x512xf32, #tpu.memory_space<hbm>>
    tpu.enqueue_indirect_dma source(%dma_start3A_168 : memref<100000x4x512xf32, #tpu.memory_space<hbm>>) target(%arg7 : memref<16x4x512xf32, #tpu.memory_space<vmem>>) offsets(%dma_start3A_164 : memref<16xi32, #tpu.memory_space<vmem>>) semaphore(%arg8 : memref<!tpu.dma_semaphore, #tpu.memory_space<semaphore_mem>>)
    %dma_wait3A_169 = arith.constant 96 : i32
    %dma_wait3A_170 = tpu.memref_slice %arg5[%dma_wait3A_169] : memref<128xi32, #tpu.memory_space<vmem>> -> memref<16xi32, #tpu.memory_space<vmem>>
    %dma_wait3A_171 = arith.constant 0 : i32
    %dma_wait3A_172 = arith.constant 0 : i32
    %dma_wait3A_173 = arith.constant 0 : i32
    %dma_wait3A_174 = tpu.memref_slice %arg3[%dma_wait3A_171, %dma_wait3A_172, %dma_wait3A_173] : memref<100000x4x512xf32, #tpu.memory_space<hbm>> -> memref<100000x4x512xf32, #tpu.memory_space<hbm>>
    tpu.wait_indirect_dma semaphore(%arg8 : memref<!tpu.dma_semaphore, #tpu.memory_space<semaphore_mem>>) src(%dma_wait3A_174 : memref<100000x4x512xf32, #tpu.memory_space<hbm>>) dst(%arg6 : memref<16x4x512xf32, #tpu.memory_space<vmem>>)
    %add3A_175 = arith.constant 96 : i32
    %add3A_176 = arith.addi %mul3A_2, %add3A_175 : i32
    %dma_start3A_177 = arith.constant 0 : i32
    %dma_start3A_178 = arith.constant 0 : i32
    %dma_start3A_179 = tpu.memref_slice %arg4[%add3A_176, %dma_start3A_177, %dma_start3A_178] : memref<4096x4x512xf32, #tpu.memory_space<hbm>> -> memref<16x4x512xf32, #tpu.memory_space<hbm>>
    %dma_start3A_180 = arith.constant 0 : i32
    %dma_start3A_181 = arith.constant 0 : i32
    %dma_start3A_182 = tpu.memref_slice %arg4[%add3A_176, %dma_start3A_180, %dma_start3A_181] : memref<4096x4x512xf32, #tpu.memory_space<hbm>> -> memref<16x4x512xf32, #tpu.memory_space<hbm>>
    tpu.enqueue_dma source(%arg6 : memref<16x4x512xf32, #tpu.memory_space<vmem>>) target(%dma_start3A_182 : memref<16x4x512xf32, #tpu.memory_space<hbm>>) target_semaphore(%arg9 : memref<!tpu.dma_semaphore, #tpu.memory_space<semaphore_mem>>)
    %dma_wait3A_183 = arith.constant 112 : i32
    %dma_wait3A_184 = tpu.memref_slice %arg5[%dma_wait3A_183] : memref<128xi32, #tpu.memory_space<vmem>> -> memref<16xi32, #tpu.memory_space<vmem>>
    %dma_wait3A_185 = arith.constant 0 : i32
    %dma_wait3A_186 = arith.constant 0 : i32
    %dma_wait3A_187 = arith.constant 0 : i32
    %dma_wait3A_188 = tpu.memref_slice %arg3[%dma_wait3A_185, %dma_wait3A_186, %dma_wait3A_187] : memref<100000x4x512xf32, #tpu.memory_space<hbm>> -> memref<100000x4x512xf32, #tpu.memory_space<hbm>>
    tpu.wait_indirect_dma semaphore(%arg8 : memref<!tpu.dma_semaphore, #tpu.memory_space<semaphore_mem>>) src(%dma_wait3A_188 : memref<100000x4x512xf32, #tpu.memory_space<hbm>>) dst(%arg7 : memref<16x4x512xf32, #tpu.memory_space<vmem>>)
    %add3A_189 = arith.constant 112 : i32
    %add3A_190 = arith.addi %mul3A_2, %add3A_189 : i32
    %dma_start3A_191 = arith.constant 0 : i32
    %dma_start3A_192 = arith.constant 0 : i32
    %dma_start3A_193 = tpu.memref_slice %arg4[%add3A_190, %dma_start3A_191, %dma_start3A_192] : memref<4096x4x512xf32, #tpu.memory_space<hbm>> -> memref<16x4x512xf32, #tpu.memory_space<hbm>>
    %dma_start3A_194 = arith.constant 0 : i32
    %dma_start3A_195 = arith.constant 0 : i32
    %dma_start3A_196 = tpu.memref_slice %arg4[%add3A_190, %dma_start3A_194, %dma_start3A_195] : memref<4096x4x512xf32, #tpu.memory_space<hbm>> -> memref<16x4x512xf32, #tpu.memory_space<hbm>>
    tpu.enqueue_dma source(%arg7 : memref<16x4x512xf32, #tpu.memory_space<vmem>>) target(%dma_start3A_196 : memref<16x4x512xf32, #tpu.memory_space<hbm>>) target_semaphore(%arg9 : memref<!tpu.dma_semaphore, #tpu.memory_space<semaphore_mem>>)
    %dma_wait3A_197 = arith.constant 0 : i32
    %dma_wait3A_198 = arith.constant 0 : i32
    %dma_wait3A_199 = tpu.memref_slice %arg4[%add3A_176, %dma_wait3A_197, %dma_wait3A_198] : memref<4096x4x512xf32, #tpu.memory_space<hbm>> -> memref<16x4x512xf32, #tpu.memory_space<hbm>>
    %dma_wait3A_200 = arith.constant 0 : i32
    %dma_wait3A_201 = arith.constant 0 : i32
    %dma_wait3A_202 = tpu.memref_slice %arg4[%add3A_176, %dma_wait3A_200, %dma_wait3A_201] : memref<4096x4x512xf32, #tpu.memory_space<hbm>> -> memref<16x4x512xf32, #tpu.memory_space<hbm>>
    tpu.wait_dma2 semaphore(%arg9 : memref<!tpu.dma_semaphore, #tpu.memory_space<semaphore_mem>>) src(%arg6 : memref<16x4x512xf32, #tpu.memory_space<vmem>>) dst(%dma_wait3A_202 : memref<16x4x512xf32, #tpu.memory_space<hbm>>)
    %dma_wait3A_203 = arith.constant 0 : i32
    %dma_wait3A_204 = arith.constant 0 : i32
    %dma_wait3A_205 = tpu.memref_slice %arg4[%add3A_190, %dma_wait3A_203, %dma_wait3A_204] : memref<4096x4x512xf32, #tpu.memory_space<hbm>> -> memref<16x4x512xf32, #tpu.memory_space<hbm>>
    %dma_wait3A_206 = arith.constant 0 : i32
    %dma_wait3A_207 = arith.constant 0 : i32
    %dma_wait3A_208 = tpu.memref_slice %arg4[%add3A_190, %dma_wait3A_206, %dma_wait3A_207] : memref<4096x4x512xf32, #tpu.memory_space<hbm>> -> memref<16x4x512xf32, #tpu.memory_space<hbm>>
    tpu.wait_dma2 semaphore(%arg9 : memref<!tpu.dma_semaphore, #tpu.memory_space<semaphore_mem>>) src(%arg7 : memref<16x4x512xf32, #tpu.memory_space<vmem>>) dst(%dma_wait3A_208 : memref<16x4x512xf32, #tpu.memory_space<hbm>>)
    return
  }
}

module attributes {stable_mosaic.version = 14 : i64} {
  func.func @prompt_fill_const_tc(%arg0: i32, %arg1: memref<1x1x512xf32, #tpu.memory_space<vmem>>, %arg2: memref<1x4096x512xf32, #tpu.memory_space<vmem>>) attributes {dimension_semantics = [#tpu.dimension_semantics<arbitrary>], iteration_bounds = array<i64: 73>, scalar_prefetch = 0 : i64, scratch_operands = 0 : i64, tpu.core_type = #tpu.core_type<tc>, window_params = [{transform_indices = @transform_0, window_bounds = array<i64: 1, 1, 512>}, {transform_indices = @transform_1, window_bounds = array<i64: 1, 4096, 512>}]} {
    %get3A = arith.constant 0 : index
    %get3A_0 = arith.constant 0 : index
    %get3A_1 = arith.constant 0 : index
    %get3A_2 = vector.load %arg1[%get3A, %get3A_0, %get3A_1] : memref<1x1x512xf32, #tpu.memory_space<vmem>>, vector<1x1x512xf32>
    %broadcast_in_dim3A = vector.shape_cast %get3A_2 : vector<1x1x512xf32> to vector<1x1x512xf32>
    %broadcast_in_dim3A_3 = vector.broadcast %broadcast_in_dim3A : vector<1x1x512xf32> to vector<1x4096x512xf32>
    %swap3A = arith.constant 0 : index
    %swap3A_4 = arith.constant 0 : index
    %swap3A_5 = arith.constant 0 : index
    %swap3A_6 = vector.load %arg2[%swap3A, %swap3A_4, %swap3A_5] : memref<1x4096x512xf32, #tpu.memory_space<vmem>>, vector<1x4096x512xf32>
    tpu.vector_store %arg2[%swap3A, %swap3A_4, %swap3A_5], %broadcast_in_dim3A_3 {strides = array<i32>} : memref<1x4096x512xf32, #tpu.memory_space<vmem>>, vector<1x4096x512xf32>,
    return
  }
  func.func @transform_0(%arg0: i32) -> (i32, i32, i32) {
    %c0_i32 = arith.constant 0 : i32
    %c0_i32_0 = arith.constant 0 : i32
    %c0_i32_1 = arith.constant 0 : i32
    return %arg0, %c0_i32, %c0_i32_0 : i32, i32, i32
  }
  func.func @transform_1(%arg0: i32) -> (i32, i32, i32) {
    %lt3A = arith.constant 5 : i32
    %lt3A_0 = arith.cmpi slt, %arg0, %lt3A : i32
    %add3A = arith.constant 4 : i32
    %add3A_1 = arith.addi %arg0, %add3A : i32
    %select_n3A = arith.select %lt3A_0, %arg0, %add3A_1 : i32
    %c0_i32 = arith.constant 0 : i32
    %c0_i32_2 = arith.constant 0 : i32
    %c0_i32_3 = arith.constant 0 : i32
    return %select_n3A, %c0_i32, %c0_i32_2 : i32, i32, i32
  }
}

module attributes {stable_mosaic.version = 14 : i64} {
  func.func @prompt_fill_cls_tc(%arg0: i32, %arg1: memref<1024x4x512xf32, #tpu.memory_space<vmem>>, %arg2: memref<77x4096x512xf32, #tpu.memory_space<any>>, %arg3: memref<77x4096x512xf32, #tpu.memory_space<any>>, %arg4: memref<2x4x1024x512xf32, #tpu.memory_space<vmem>>, %arg5: memref<!tpu.dma_semaphore, #tpu.memory_space<semaphore_mem>>) attributes {dimension_semantics = [#tpu.dimension_semantics<arbitrary>], iteration_bounds = array<i64: 4>, scalar_prefetch = 0 : i64, scratch_operands = 2 : i64, tpu.core_type = #tpu.core_type<tc>, window_params = [{transform_indices = @transform_0, window_bounds = array<i64: 1024, 4, 512>}, {}, {}]} {
    %jit3A = arith.constant 2 : i32
    %eq3A = arith.constant 0 : i32
    %eq3A_0 = arith.cmpi eq, %jit3A, %eq3A : i32
    %jit3A_1 = arith.constant 1 : i32
    %select_n3A = arith.select %eq3A_0, %jit3A_1, %jit3A : i32
    %rem3A = arith.remsi %arg0, %select_n3A : i32
    %ne3A = arith.constant 0 : i32
    %ne3A_2 = arith.cmpi ne, %rem3A, %ne3A : i32
    %lt3A = arith.constant 0 : i32
    %lt3A_3 = arith.cmpi slt, %rem3A, %lt3A : i32
    %lt3A_4 = arith.constant 0 : i32
    %lt3A_5 = arith.cmpi slt, %select_n3A, %lt3A_4 : i32
    %ne3A_6 = arith.xori %lt3A_3, %lt3A_5 : i1
    %and3A = arith.andi %ne3A_6, %ne3A_2 : i1
    %add3A = arith.addi %rem3A, %select_n3A : i32
    %select_n3A_7 = arith.select %and3A, %add3A, %rem3A : i32
    %eq3A_8 = arith.constant 0 : i32
    %eq3A_9 = arith.cmpi eq, %select_n3A_7, %eq3A_8 : i32
    %convert_element_type3A = arith.extui %eq3A_9 : i1 to i32
    %cond3A = arith.constant 0 : i32
    %cond3A_10 = arith.cmpi ne, %convert_element_type3A, %cond3A : i32
    scf.if %cond3A_10 {
      %get3A = arith.constant 0 : index
      %get3A_65 = arith.constant 0 : index
      %get3A_66 = arith.constant 0 : index
      %get3A_67 = vector.load %arg1[%get3A, %get3A_65, %get3A_66] : memref<1024x4x512xf32, #tpu.memory_space<vmem>>, vector<1024x1x512xf32>
      %get3A_68 = vector.shape_cast %get3A_67 : vector<1024x1x512xf32> to vector<1024x512xf32>
      %broadcast_in_dim3A = vector.shape_cast %get3A_68 : vector<1024x512xf32> to vector<1x1024x512xf32>
      %swap3A = arith.constant 0 : index
      %swap3A_69 = arith.constant 0 : index
      %swap3A_70 = arith.constant 0 : index
      %swap3A_71 = arith.constant 0 : index
      %swap3A_72 = vector.load %arg4[%swap3A, %swap3A_69, %swap3A_70, %swap3A_71] : memref<2x4x1024x512xf32, #tpu.memory_space<vmem>>, vector<1x1x1024x512xf32>
      %swap3A_73 = vector.shape_cast %swap3A_72 : vector<1x1x1024x512xf32> to vector<1x1024x512xf32>
      %swap3A_74 = vector.shape_cast %broadcast_in_dim3A : vector<1x1024x512xf32> to vector<1x1x1024x512xf32>
      tpu.vector_store %arg4[%swap3A, %swap3A_69, %swap3A_70, %swap3A_71], %swap3A_74 {strides = array<i32>} : memref<2x4x1024x512xf32, #tpu.memory_space<vmem>>, vector<1x1x1024x512xf32>,
      %get3A_75 = arith.constant 0 : index
      %get3A_76 = arith.constant 1 : index
      %get3A_77 = arith.constant 0 : index
      %get3A_78 = vector.load %arg1[%get3A_75, %get3A_76, %get3A_77] : memref<1024x4x512xf32, #tpu.memory_space<vmem>>, vector<1024x1x512xf32>
      %get3A_79 = vector.shape_cast %get3A_78 : vector<1024x1x512xf32> to vector<1024x512xf32>
      %broadcast_in_dim3A_80 = vector.shape_cast %get3A_79 : vector<1024x512xf32> to vector<1x1024x512xf32>
      %swap3A_81 = arith.constant 0 : index
      %swap3A_82 = arith.constant 1 : index
      %swap3A_83 = arith.constant 0 : index
      %swap3A_84 = arith.constant 0 : index
      %swap3A_85 = vector.load %arg4[%swap3A_81, %swap3A_82, %swap3A_83, %swap3A_84] : memref<2x4x1024x512xf32, #tpu.memory_space<vmem>>, vector<1x1x1024x512xf32>
      %swap3A_86 = vector.shape_cast %swap3A_85 : vector<1x1x1024x512xf32> to vector<1x1024x512xf32>
      %swap3A_87 = vector.shape_cast %broadcast_in_dim3A_80 : vector<1x1024x512xf32> to vector<1x1x1024x512xf32>
      tpu.vector_store %arg4[%swap3A_81, %swap3A_82, %swap3A_83, %swap3A_84], %swap3A_87 {strides = array<i32>} : memref<2x4x1024x512xf32, #tpu.memory_space<vmem>>, vector<1x1x1024x512xf32>,
      %get3A_88 = arith.constant 0 : index
      %get3A_89 = arith.constant 2 : index
      %get3A_90 = arith.constant 0 : index
      %get3A_91 = vector.load %arg1[%get3A_88, %get3A_89, %get3A_90] : memref<1024x4x512xf32, #tpu.memory_space<vmem>>, vector<1024x1x512xf32>
      %get3A_92 = vector.shape_cast %get3A_91 : vector<1024x1x512xf32> to vector<1024x512xf32>
      %broadcast_in_dim3A_93 = vector.shape_cast %get3A_92 : vector<1024x512xf32> to vector<1x1024x512xf32>
      %swap3A_94 = arith.constant 0 : index
      %swap3A_95 = arith.constant 2 : index
      %swap3A_96 = arith.constant 0 : index
      %swap3A_97 = arith.constant 0 : index
      %swap3A_98 = vector.load %arg4[%swap3A_94, %swap3A_95, %swap3A_96, %swap3A_97] : memref<2x4x1024x512xf32, #tpu.memory_space<vmem>>, vector<1x1x1024x512xf32>
      %swap3A_99 = vector.shape_cast %swap3A_98 : vector<1x1x1024x512xf32> to vector<1x1024x512xf32>
      %swap3A_100 = vector.shape_cast %broadcast_in_dim3A_93 : vector<1x1024x512xf32> to vector<1x1x1024x512xf32>
      tpu.vector_store %arg4[%swap3A_94, %swap3A_95, %swap3A_96, %swap3A_97], %swap3A_100 {strides = array<i32>} : memref<2x4x1024x512xf32, #tpu.memory_space<vmem>>, vector<1x1x1024x512xf32>,
      %get3A_101 = arith.constant 0 : index
      %get3A_102 = arith.constant 3 : index
      %get3A_103 = arith.constant 0 : index
      %get3A_104 = vector.load %arg1[%get3A_101, %get3A_102, %get3A_103] : memref<1024x4x512xf32, #tpu.memory_space<vmem>>, vector<1024x1x512xf32>
      %get3A_105 = vector.shape_cast %get3A_104 : vector<1024x1x512xf32> to vector<1024x512xf32>
      %broadcast_in_dim3A_106 = vector.shape_cast %get3A_105 : vector<1024x512xf32> to vector<1x1024x512xf32>
      %swap3A_107 = arith.constant 0 : index
      %swap3A_108 = arith.constant 3 : index
      %swap3A_109 = arith.constant 0 : index
      %swap3A_110 = arith.constant 0 : index
      %swap3A_111 = vector.load %arg4[%swap3A_107, %swap3A_108, %swap3A_109, %swap3A_110] : memref<2x4x1024x512xf32, #tpu.memory_space<vmem>>, vector<1x1x1024x512xf32>
      %swap3A_112 = vector.shape_cast %swap3A_111 : vector<1x1x1024x512xf32> to vector<1x1024x512xf32>
      %swap3A_113 = vector.shape_cast %broadcast_in_dim3A_106 : vector<1x1024x512xf32> to vector<1x1x1024x512xf32>
      tpu.vector_store %arg4[%swap3A_107, %swap3A_108, %swap3A_109, %swap3A_110], %swap3A_113 {strides = array<i32>} : memref<2x4x1024x512xf32, #tpu.memory_space<vmem>>, vector<1x1x1024x512xf32>,
    } else {
    }
    %jit3A_11 = arith.constant 2 : i32
    %eq3A_12 = arith.constant 0 : i32
    %eq3A_13 = arith.cmpi eq, %jit3A_11, %eq3A_12 : i32
    %jit3A_14 = arith.constant 1 : i32
    %select_n3A_15 = arith.select %eq3A_13, %jit3A_14, %jit3A_11 : i32
    %rem3A_16 = arith.remsi %arg0, %select_n3A_15 : i32
    %ne3A_17 = arith.constant 0 : i32
    %ne3A_18 = arith.cmpi ne, %rem3A_16, %ne3A_17 : i32
    %lt3A_19 = arith.constant 0 : i32
    %lt3A_20 = arith.cmpi slt, %rem3A_16, %lt3A_19 : i32
    %lt3A_21 = arith.constant 0 : i32
    %lt3A_22 = arith.cmpi slt, %select_n3A_15, %lt3A_21 : i32
    %ne3A_23 = arith.xori %lt3A_20, %lt3A_22 : i1
    %and3A_24 = arith.andi %ne3A_23, %ne3A_18 : i1
    %add3A_25 = arith.addi %rem3A_16, %select_n3A_15 : i32
    %select_n3A_26 = arith.select %and3A_24, %add3A_25, %rem3A_16 : i32
    %eq3A_27 = arith.constant 1 : i32
    %eq3A_28 = arith.cmpi eq, %select_n3A_26, %eq3A_27 : i32
    %convert_element_type3A_29 = arith.extui %eq3A_28 : i1 to i32
    %cond3A_30 = arith.constant 0 : i32
    %cond3A_31 = arith.cmpi ne, %convert_element_type3A_29, %cond3A_30 : i32
    scf.if %cond3A_31 {
      %get3A = arith.constant 0 : index
      %get3A_65 = arith.constant 0 : index
      %get3A_66 = arith.constant 0 : index
      %get3A_67 = vector.load %arg1[%get3A, %get3A_65, %get3A_66] : memref<1024x4x512xf32, #tpu.memory_space<vmem>>, vector<1024x1x512xf32>
      %get3A_68 = vector.shape_cast %get3A_67 : vector<1024x1x512xf32> to vector<1024x512xf32>
      %broadcast_in_dim3A = vector.shape_cast %get3A_68 : vector<1024x512xf32> to vector<1x1024x512xf32>
      %swap3A = arith.constant 1 : index
      %swap3A_69 = arith.constant 0 : index
      %swap3A_70 = arith.constant 0 : index
      %swap3A_71 = arith.constant 0 : index
      %swap3A_72 = vector.load %arg4[%swap3A, %swap3A_69, %swap3A_70, %swap3A_71] : memref<2x4x1024x512xf32, #tpu.memory_space<vmem>>, vector<1x1x1024x512xf32>
      %swap3A_73 = vector.shape_cast %swap3A_72 : vector<1x1x1024x512xf32> to vector<1x1024x512xf32>
      %swap3A_74 = vector.shape_cast %broadcast_in_dim3A : vector<1x1024x512xf32> to vector<1x1x1024x512xf32>
      tpu.vector_store %arg4[%swap3A, %swap3A_69, %swap3A_70, %swap3A_71], %swap3A_74 {strides = array<i32>} : memref<2x4x1024x512xf32, #tpu.memory_space<vmem>>, vector<1x1x1024x512xf32>,
      %get3A_75 = arith.constant 0 : index
      %get3A_76 = arith.constant 1 : index
      %get3A_77 = arith.constant 0 : index
      %get3A_78 = vector.load %arg1[%get3A_75, %get3A_76, %get3A_77] : memref<1024x4x512xf32, #tpu.memory_space<vmem>>, vector<1024x1x512xf32>
      %get3A_79 = vector.shape_cast %get3A_78 : vector<1024x1x512xf32> to vector<1024x512xf32>
      %broadcast_in_dim3A_80 = vector.shape_cast %get3A_79 : vector<1024x512xf32> to vector<1x1024x512xf32>
      %swap3A_81 = arith.constant 1 : index
      %swap3A_82 = arith.constant 1 : index
      %swap3A_83 = arith.constant 0 : index
      %swap3A_84 = arith.constant 0 : index
      %swap3A_85 = vector.load %arg4[%swap3A_81, %swap3A_82, %swap3A_83, %swap3A_84] : memref<2x4x1024x512xf32, #tpu.memory_space<vmem>>, vector<1x1x1024x512xf32>
      %swap3A_86 = vector.shape_cast %swap3A_85 : vector<1x1x1024x512xf32> to vector<1x1024x512xf32>
      %swap3A_87 = vector.shape_cast %broadcast_in_dim3A_80 : vector<1x1024x512xf32> to vector<1x1x1024x512xf32>
      tpu.vector_store %arg4[%swap3A_81, %swap3A_82, %swap3A_83, %swap3A_84], %swap3A_87 {strides = array<i32>} : memref<2x4x1024x512xf32, #tpu.memory_space<vmem>>, vector<1x1x1024x512xf32>,
      %get3A_88 = arith.constant 0 : index
      %get3A_89 = arith.constant 2 : index
      %get3A_90 = arith.constant 0 : index
      %get3A_91 = vector.load %arg1[%get3A_88, %get3A_89, %get3A_90] : memref<1024x4x512xf32, #tpu.memory_space<vmem>>, vector<1024x1x512xf32>
      %get3A_92 = vector.shape_cast %get3A_91 : vector<1024x1x512xf32> to vector<1024x512xf32>
      %broadcast_in_dim3A_93 = vector.shape_cast %get3A_92 : vector<1024x512xf32> to vector<1x1024x512xf32>
      %swap3A_94 = arith.constant 1 : index
      %swap3A_95 = arith.constant 2 : index
      %swap3A_96 = arith.constant 0 : index
      %swap3A_97 = arith.constant 0 : index
      %swap3A_98 = vector.load %arg4[%swap3A_94, %swap3A_95, %swap3A_96, %swap3A_97] : memref<2x4x1024x512xf32, #tpu.memory_space<vmem>>, vector<1x1x1024x512xf32>
      %swap3A_99 = vector.shape_cast %swap3A_98 : vector<1x1x1024x512xf32> to vector<1x1024x512xf32>
      %swap3A_100 = vector.shape_cast %broadcast_in_dim3A_93 : vector<1x1024x512xf32> to vector<1x1x1024x512xf32>
      tpu.vector_store %arg4[%swap3A_94, %swap3A_95, %swap3A_96, %swap3A_97], %swap3A_100 {strides = array<i32>} : memref<2x4x1024x512xf32, #tpu.memory_space<vmem>>, vector<1x1x1024x512xf32>,
      %get3A_101 = arith.constant 0 : index
      %get3A_102 = arith.constant 3 : index
      %get3A_103 = arith.constant 0 : index
      %get3A_104 = vector.load %arg1[%get3A_101, %get3A_102, %get3A_103] : memref<1024x4x512xf32, #tpu.memory_space<vmem>>, vector<1024x1x512xf32>
      %get3A_105 = vector.shape_cast %get3A_104 : vector<1024x1x512xf32> to vector<1024x512xf32>
      %broadcast_in_dim3A_106 = vector.shape_cast %get3A_105 : vector<1024x512xf32> to vector<1x1024x512xf32>
      %swap3A_107 = arith.constant 1 : index
      %swap3A_108 = arith.constant 3 : index
      %swap3A_109 = arith.constant 0 : index
      %swap3A_110 = arith.constant 0 : index
      %swap3A_111 = vector.load %arg4[%swap3A_107, %swap3A_108, %swap3A_109, %swap3A_110] : memref<2x4x1024x512xf32, #tpu.memory_space<vmem>>, vector<1x1x1024x512xf32>
      %swap3A_112 = vector.shape_cast %swap3A_111 : vector<1x1x1024x512xf32> to vector<1x1024x512xf32>
      %swap3A_113 = vector.shape_cast %broadcast_in_dim3A_106 : vector<1x1024x512xf32> to vector<1x1x1024x512xf32>
      tpu.vector_store %arg4[%swap3A_107, %swap3A_108, %swap3A_109, %swap3A_110], %swap3A_113 {strides = array<i32>} : memref<2x4x1024x512xf32, #tpu.memory_space<vmem>>, vector<1x1x1024x512xf32>,
    } else {
    }
    %ge3A = arith.constant 2 : i32
    %ge3A_32 = arith.cmpi sge, %arg0, %ge3A : i32
    %convert_element_type3A_33 = arith.extui %ge3A_32 : i1 to i32
    %cond3A_34 = arith.constant 0 : i32
    %cond3A_35 = arith.cmpi ne, %convert_element_type3A_33, %cond3A_34 : i32
    scf.if %cond3A_35 {
      %sub3A = arith.constant 2 : i32
      %sub3A_65 = arith.subi %arg0, %sub3A : i32
      %jit3A_66 = arith.constant 2 : i32
      %eq3A_67 = arith.constant 0 : i32
      %eq3A_68 = arith.cmpi eq, %jit3A_66, %eq3A_67 : i32
      %jit3A_69 = arith.constant 1 : i32
      %select_n3A_70 = arith.select %eq3A_68, %jit3A_69, %jit3A_66 : i32
      %rem3A_71 = arith.remsi %sub3A_65, %select_n3A_70 : i32
      %ne3A_72 = arith.constant 0 : i32
      %ne3A_73 = arith.cmpi ne, %rem3A_71, %ne3A_72 : i32
      %lt3A_74 = arith.constant 0 : i32
      %lt3A_75 = arith.cmpi slt, %rem3A_71, %lt3A_74 : i32
      %lt3A_76 = arith.constant 0 : i32
      %lt3A_77 = arith.cmpi slt, %select_n3A_70, %lt3A_76 : i32
      %ne3A_78 = arith.xori %lt3A_75, %lt3A_77 : i1
      %and3A_79 = arith.andi %ne3A_78, %ne3A_73 : i1
      %add3A_80 = arith.addi %rem3A_71, %select_n3A_70 : i32
      %select_n3A_81 = arith.select %and3A_79, %add3A_80, %rem3A_71 : i32
      %mul3A_82 = arith.constant 1024 : i32
      %mul3A_83 = arith.muli %sub3A_65, %mul3A_82 : i32
      %dma_wait3A = arith.constant 5 : i32
      %dma_wait3A_84 = arith.constant 0 : i32
      %dma_wait3A_85 = tpu.memref_slice %arg3[%dma_wait3A, %mul3A_83, %dma_wait3A_84] : memref<77x4096x512xf32, #tpu.memory_space<any>> -> memref<4x1024x512xf32, #tpu.memory_space<any>>
      %dma_wait3A_86 = arith.constant 0 : i32
      %dma_wait3A_87 = arith.constant 0 : i32
      %dma_wait3A_88 = arith.constant 0 : i32
      %dma_wait3A_89 = tpu.memref_slice %arg4[%select_n3A_81, %dma_wait3A_86, %dma_wait3A_87, %dma_wait3A_88] : memref<2x4x1024x512xf32, #tpu.memory_space<vmem>> -> memref<1x4x1024x512xf32, #tpu.memory_space<vmem>>
      %dma_wait3A_90 = tpu.memref_squeeze %dma_wait3A_89 : memref<1x4x1024x512xf32, #tpu.memory_space<vmem>> -> memref<4x1024x512xf32, #tpu.memory_space<vmem>>
      tpu.wait_dma2 semaphore(%arg5 : memref<!tpu.dma_semaphore, #tpu.memory_space<semaphore_mem>>) src(%dma_wait3A_90 : memref<4x1024x512xf32, #tpu.memory_space<vmem>>) dst(%dma_wait3A_85 : memref<4x1024x512xf32, #tpu.memory_space<any>>)
    } else {
    }
    %jit3A_36 = arith.constant 2 : i32
    %eq3A_37 = arith.constant 0 : i32
    %eq3A_38 = arith.cmpi eq, %jit3A_36, %eq3A_37 : i32
    %jit3A_39 = arith.constant 1 : i32
    %select_n3A_40 = arith.select %eq3A_38, %jit3A_39, %jit3A_36 : i32
    %rem3A_41 = arith.remsi %arg0, %select_n3A_40 : i32
    %ne3A_42 = arith.constant 0 : i32
    %ne3A_43 = arith.cmpi ne, %rem3A_41, %ne3A_42 : i32
    %lt3A_44 = arith.constant 0 : i32
    %lt3A_45 = arith.cmpi slt, %rem3A_41, %lt3A_44 : i32
    %lt3A_46 = arith.constant 0 : i32
    %lt3A_47 = arith.cmpi slt, %select_n3A_40, %lt3A_46 : i32
    %ne3A_48 = arith.xori %lt3A_45, %lt3A_47 : i1
    %and3A_49 = arith.andi %ne3A_48, %ne3A_43 : i1
    %add3A_50 = arith.addi %rem3A_41, %select_n3A_40 : i32
    %select_n3A_51 = arith.select %and3A_49, %add3A_50, %rem3A_41 : i32
    %mul3A = arith.constant 1024 : i32
    %mul3A_52 = arith.muli %arg0, %mul3A : i32
    %dma_start3A = arith.constant 5 : i32
    %dma_start3A_53 = arith.constant 0 : i32
    %dma_start3A_54 = tpu.memref_slice %arg3[%dma_start3A, %mul3A_52, %dma_start3A_53] : memref<77x4096x512xf32, #tpu.memory_space<any>> -> memref<4x1024x512xf32, #tpu.memory_space<any>>
    %dma_start3A_55 = arith.constant 0 : i32
    %dma_start3A_56 = arith.constant 0 : i32
    %dma_start3A_57 = arith.constant 0 : i32
    %dma_start3A_58 = tpu.memref_slice %arg4[%select_n3A_51, %dma_start3A_55, %dma_start3A_56, %dma_start3A_57] : memref<2x4x1024x512xf32, #tpu.memory_space<vmem>> -> memref<1x4x1024x512xf32, #tpu.memory_space<vmem>>
    %dma_start3A_59 = tpu.memref_squeeze %dma_start3A_58 : memref<1x4x1024x512xf32, #tpu.memory_space<vmem>> -> memref<4x1024x512xf32, #tpu.memory_space<vmem>>
    tpu.enqueue_dma source(%dma_start3A_59 : memref<4x1024x512xf32, #tpu.memory_space<vmem>>) target(%dma_start3A_54 : memref<4x1024x512xf32, #tpu.memory_space<any>>) target_semaphore(%arg5 : memref<!tpu.dma_semaphore, #tpu.memory_space<semaphore_mem>>)
    %eq3A_60 = arith.constant 3 : i32
    %eq3A_61 = arith.cmpi eq, %arg0, %eq3A_60 : i32
    %convert_element_type3A_62 = arith.extui %eq3A_61 : i1 to i32
    %cond3A_63 = arith.constant 0 : i32
    %cond3A_64 = arith.cmpi ne, %convert_element_type3A_62, %cond3A_63 : i32
    scf.if %cond3A_64 {
      %sub3A = arith.constant 1 : i32
      %sub3A_65 = arith.subi %arg0, %sub3A : i32
      %jit3A_66 = arith.constant 2 : i32
      %eq3A_67 = arith.constant 0 : i32
      %eq3A_68 = arith.cmpi eq, %jit3A_66, %eq3A_67 : i32
      %jit3A_69 = arith.constant 1 : i32
      %select_n3A_70 = arith.select %eq3A_68, %jit3A_69, %jit3A_66 : i32
      %rem3A_71 = arith.remsi %sub3A_65, %select_n3A_70 : i32
      %ne3A_72 = arith.constant 0 : i32
      %ne3A_73 = arith.cmpi ne, %rem3A_71, %ne3A_72 : i32
      %lt3A_74 = arith.constant 0 : i32
      %lt3A_75 = arith.cmpi slt, %rem3A_71, %lt3A_74 : i32
      %lt3A_76 = arith.constant 0 : i32
      %lt3A_77 = arith.cmpi slt, %select_n3A_70, %lt3A_76 : i32
      %ne3A_78 = arith.xori %lt3A_75, %lt3A_77 : i1
      %and3A_79 = arith.andi %ne3A_78, %ne3A_73 : i1
      %add3A_80 = arith.addi %rem3A_71, %select_n3A_70 : i32
      %select_n3A_81 = arith.select %and3A_79, %add3A_80, %rem3A_71 : i32
      %mul3A_82 = arith.constant 1024 : i32
      %mul3A_83 = arith.muli %sub3A_65, %mul3A_82 : i32
      %dma_wait3A = arith.constant 5 : i32
      %dma_wait3A_84 = arith.constant 0 : i32
      %dma_wait3A_85 = tpu.memref_slice %arg3[%dma_wait3A, %mul3A_83, %dma_wait3A_84] : memref<77x4096x512xf32, #tpu.memory_space<any>> -> memref<4x1024x512xf32, #tpu.memory_space<any>>
      %dma_wait3A_86 = arith.constant 0 : i32
      %dma_wait3A_87 = arith.constant 0 : i32
      %dma_wait3A_88 = arith.constant 0 : i32
      %dma_wait3A_89 = tpu.memref_slice %arg4[%select_n3A_81, %dma_wait3A_86, %dma_wait3A_87, %dma_wait3A_88] : memref<2x4x1024x512xf32, #tpu.memory_space<vmem>> -> memref<1x4x1024x512xf32, #tpu.memory_space<vmem>>
      %dma_wait3A_90 = tpu.memref_squeeze %dma_wait3A_89 : memref<1x4x1024x512xf32, #tpu.memory_space<vmem>> -> memref<4x1024x512xf32, #tpu.memory_space<vmem>>
      tpu.wait_dma2 semaphore(%arg5 : memref<!tpu.dma_semaphore, #tpu.memory_space<semaphore_mem>>) src(%dma_wait3A_90 : memref<4x1024x512xf32, #tpu.memory_space<vmem>>) dst(%dma_wait3A_85 : memref<4x1024x512xf32, #tpu.memory_space<any>>)
      %jit3A_91 = arith.constant 2 : i32
      %eq3A_92 = arith.constant 0 : i32
      %eq3A_93 = arith.cmpi eq, %jit3A_91, %eq3A_92 : i32
      %jit3A_94 = arith.constant 1 : i32
      %select_n3A_95 = arith.select %eq3A_93, %jit3A_94, %jit3A_91 : i32
      %rem3A_96 = arith.remsi %arg0, %select_n3A_95 : i32
      %ne3A_97 = arith.constant 0 : i32
      %ne3A_98 = arith.cmpi ne, %rem3A_96, %ne3A_97 : i32
      %lt3A_99 = arith.constant 0 : i32
      %lt3A_100 = arith.cmpi slt, %rem3A_96, %lt3A_99 : i32
      %lt3A_101 = arith.constant 0 : i32
      %lt3A_102 = arith.cmpi slt, %select_n3A_95, %lt3A_101 : i32
      %ne3A_103 = arith.xori %lt3A_100, %lt3A_102 : i1
      %and3A_104 = arith.andi %ne3A_103, %ne3A_98 : i1
      %add3A_105 = arith.addi %rem3A_96, %select_n3A_95 : i32
      %select_n3A_106 = arith.select %and3A_104, %add3A_105, %rem3A_96 : i32
      %mul3A_107 = arith.constant 1024 : i32
      %mul3A_108 = arith.muli %arg0, %mul3A_107 : i32
      %dma_wait3A_109 = arith.constant 5 : i32
      %dma_wait3A_110 = arith.constant 0 : i32
      %dma_wait3A_111 = tpu.memref_slice %arg3[%dma_wait3A_109, %mul3A_108, %dma_wait3A_110] : memref<77x4096x512xf32, #tpu.memory_space<any>> -> memref<4x1024x512xf32, #tpu.memory_space<any>>
      %dma_wait3A_112 = arith.constant 0 : i32
      %dma_wait3A_113 = arith.constant 0 : i32
      %dma_wait3A_114 = arith.constant 0 : i32
      %dma_wait3A_115 = tpu.memref_slice %arg4[%select_n3A_106, %dma_wait3A_112, %dma_wait3A_113, %dma_wait3A_114] : memref<2x4x1024x512xf32, #tpu.memory_space<vmem>> -> memref<1x4x1024x512xf32, #tpu.memory_space<vmem>>
      %dma_wait3A_116 = tpu.memref_squeeze %dma_wait3A_115 : memref<1x4x1024x512xf32, #tpu.memory_space<vmem>> -> memref<4x1024x512xf32, #tpu.memory_space<vmem>>
      tpu.wait_dma2 semaphore(%arg5 : memref<!tpu.dma_semaphore, #tpu.memory_space<semaphore_mem>>) src(%dma_wait3A_116 : memref<4x1024x512xf32, #tpu.memory_space<vmem>>) dst(%dma_wait3A_111 : memref<4x1024x512xf32, #tpu.memory_space<any>>)
    } else {
    }
    return
  }
  func.func @transform_0(%arg0: i32) -> (i32, i32, i32) {
    %c0_i32 = arith.constant 0 : i32
    %c0_i32_0 = arith.constant 0 : i32
    %c0_i32_1 = arith.constant 0 : i32
    return %arg0, %c0_i32, %c0_i32_0 : i32, i32, i32
  }
}

</mosaic_0001>

<sc_bundles>
// kernel: cls_gather_sc.3.cloned.1.call-start
scs
__scs_entry_jumppad:
0x0: {  	(pc) =	sbr.rel $0x88, $3  }
0x1: {  	(tag) =	ssettag $0x0;
	lr =	simm.s32 $0x1  }
0x2: {  	[smem:$0x3F9B] =	sst lr;
	_ =	strace $0xD0000000  }
0x3: {  	_ = 	snop  }
0x4: {  	_ = 	snop  }
0x5: {  	_ = 	snop  }
0x6: {  	_ = 	snop  }
0x7: {  	_ = 	snop  }
__scs_overlays_trampoline_lowered:
0x8: {  	[smem:$0x3FAA] =	sst s0  }
0x9: {  	[smem:$0x3FAB] =	sst s1  }
0xa: {  	[smem:$0x3FAC] =	sst s2  }
0xb: {  	[smem:$0x3FAD] =	sst s3  }
0xc: {  	[smem:$0x3FAE] =	sst s4  }
0xd: {  	[smem:$0x3FAF] =	sst s5  }
0xe: {  	[smem:$0x3FB0] =	sst s6  }
0xf: {  	[smem:$0x3FB1] =	sst s7  }
0x10: {  	[smem:$0x3FB2] =	sst s8  }
0x11: {  	[smem:$0x3FB3] =	sst s9;
	s0 =	simm.s32 @!p0 $0x0  }
0x12: {  	s1 =	sld [smem:$0x3F99];
	s0 =	simm.s32 @p0 $0x1  }
0x13: {  	[smem:$0x3FB4] =	sst s0;
	s0 =	simm.s32 @!p1 $0x0  }
0x14: {  	s2 =	sld [smem:$0x3F98];
	s0 =	simm.s32 @p1 $0x1  }
0x15: {  	[smem:$0x3FB5] =	sst s0;
	s0 =	simm.s32 @!p2 $0x0  }
0x16: {  	s3 =	sld [smem:$0x3FDB];
	s0 =	simm.s32 @p2 $0x1  }
0x17: {  	s4 =	simm.s32 $0x1BF5;
	[smem:$0x3FB7] =	sst s0  }
0x18: {  	s0 =	sld [smem:$0x3F9A];
	_ =	swait.ge [sflag:s4], $0x0  }
0x19: {  	s7 =	sld [smem:$0x3F9B]  }
0x1a: {  	s8 =	sadd.s32 $0xFFFFE003, lr  }
0x1b: {  	s9 =	sadd.s32 $0xFFFFFEF7, lr;
	s5 =	simm.s32 $0xFFFFFFFF;
	p2 =	slt.u32 s8, $0xFFFFF086  }
0x1c: {  	p1 =	slt.u32 s9, $0xF7A;
	s5 =	simm.s32 @!p2 $0x0  }
0x1d: {  	s5 =	simm.s32 @p1 $0x1;
	p0 =	seq.s32 s7, s2  }
0x1e: {  	s7 =	smul.u32 @!p0 $0xF7A, s2;
	p2 =	seq.s32 @!p0 s5, $0x0  }
0x1f: {  	s9 =	smul.u32 $0xF7A, s1;
	s8 =	simm.s32 @!p0 $0x1BF5;
	p2 =	por !p2, p0  }
0x20: {  	[sflag:s8] =	ssyncset.s32 @!p0 $0xFFFFF086;
	s6 =	sadd.s32 @!p0 s3, s7;
	s7 =	simm.s32 @!p0 $0x108  }
0x21: {  	s3 =	sadd.s32 s3, s9;
	s6 =	sadd.s32 @!p0 $0x88, s6;
	s7 =	simm.s32 @p2 $0x1082  }
0x22: {  	[simem:s7], [sflag:s8] =	dma.local @!p0 [hbm:s6], $0xF7A  }
0x23: {  	s9 =	sor.u32 $0xD0000000, s2;
	s6 =	simm.s32 $0x108;
	_ =	swait.ge @!p0 [sflag:s8], $0x0  }
0x24: {  	s3 =	sadd.s32 $0x88, s3;
	s6 =	simm.s32 @!p1 $0x1082;
	[sflag:s4] =	ssyncset.s32 $0xFFFFF086  }
0x25: {  	[simem:s6], [sflag:s4] =	dma.local [hbm:s3], $0xF7A  }
0x26: {  	[smem:$0x3F9B] =	sst s1;
	(tag) =	ssettag s2;
	_ =	strace s9  }
0x27: {  	s1 =	sld [smem:$0x3FAB]  }
0x28: {  	s2 =	sld [smem:$0x3FAC]  }
0x29: {  	s4 =	sld [smem:$0x3FAE]  }
0x2a: {  	p0 =	seq.s32 s5, $0x0;
	s5 =	sld [smem:$0x3FAF]  }
0x2b: {  	s6 =	sld [smem:$0x3FB0]  }
0x2c: {  	s7 =	sld [smem:$0x3FB1]  }
0x2d: {  	s3 =	simm.s32 $0x108;
	s8 =	sld [smem:$0x3FB2]  }
0x2e: {  	s3 =	simm.s32 @!p0 $0x1082;
	s9 =	sld [smem:$0x3FB3]  }
0x2f: {  	lr =	sadd.s32 s0, s3;
	s0 =	sld [smem:$0x3FAA]  }
0x30: {  	s3 =	sld [smem:$0x3FAD]  }
0x31: {  	[smem:$0x3FB6] =	sst s10  }
0x32: {  	s10 =	sld [smem:$0x3FB4];
	_ =	sdelay $0x3  }
0x33: {  	p0 =	seq.s32 s10, $0x1;
	s10 =	sld [smem:$0x3FB6];
	_ =	sdelay $0x3  }
0x34: {  	[smem:$0x3FB6] =	sst s10  }
0x35: {  	s10 =	sld [smem:$0x3FB5];
	_ =	sdelay $0x3  }
0x36: {  	p1 =	seq.s32 s10, $0x1;
	s10 =	sld [smem:$0x3FB6];
	_ =	sdelay $0x3  }
0x37: {  	[smem:$0x3FB6] =	sst s10  }
0x38: {  	s10 =	sld [smem:$0x3FB7]  }
0x39: {  	_ = 	snop;
	(pc) =	sbr.ind lr, $3  }
0x3a: {  	_ = 	snop  }
0x3b: {  	_ = 	snop  }
0x3c: {  	p2 =	seq.s32 s10, $0x1;
	s10 =	sld [smem:$0x3FB6]  }
0x3d: {  	_ =	shalt  }
0x3e: {  	_ =	shalt  }
0x3f: {  	_ =	shalt  }
0x40: {  	_ =	shalt  }
0x41: {  	_ =	shalt  }
0x42: {  	_ =	shalt  }
0x43: {  	_ =	shalt  }
0x44: {  	_ =	shalt  }
0x45: {  	_ =	shalt  }
0x46: {  	_ =	shalt  }
0x47: {  	_ =	shalt  }
0x48: {  	_ =	shalt  }
0x49: {  	_ =	shalt  }
0x4a: {  	_ =	shalt  }
0x4b: {  	_ =	shalt  }
0x4c: {  	_ =	shalt  }
0x4d: {  	_ =	shalt  }
0x4e: {  	_ =	shalt  }
0x4f: {  	_ =	shalt  }
0x50: {  	_ =	shalt  }
0x51: {  	_ =	shalt  }
0x52: {  	_ =	shalt  }
0x53: {  	_ =	shalt  }
0x54: {  	_ =	shalt  }
0x55: {  	_ =	shalt  }
0x56: {  	_ =	shalt  }
0x57: {  	_ =	shalt  }
0x58: {  	_ =	shalt  }
0x59: {  	_ =	shalt  }
0x5a: {  	_ =	shalt  }
0x5b: {  	_ =	shalt  }
0x5c: {  	_ =	shalt  }
0x5d: {  	_ =	shalt  }
0x5e: {  	_ =	shalt  }
0x5f: {  	_ =	shalt  }
0x60: {  	_ =	shalt  }
0x61: {  	_ =	shalt  }
0x62: {  	_ =	shalt  }
0x63: {  	_ =	shalt  }
0x64: {  	_ =	shalt  }
0x65: {  	_ =	shalt  }
0x66: {  	_ =	shalt  }
0x67: {  	_ =	shalt  }
0x68: {  	_ =	shalt  }
0x69: {  	_ =	shalt  }
0x6a: {  	_ =	shalt  }
0x6b: {  	_ =	shalt  }
0x6c: {  	_ =	shalt  }
0x6d: {  	_ =	shalt  }
0x6e: {  	_ =	shalt  }
0x6f: {  	_ =	shalt  }
0x70: {  	_ =	shalt  }
0x71: {  	_ =	shalt  }
0x72: {  	_ =	shalt  }
0x73: {  	_ =	shalt  }
0x74: {  	_ =	shalt  }
0x75: {  	_ =	shalt  }
0x76: {  	_ =	shalt  }
0x77: {  	_ =	shalt  }
0x78: {  	_ =	shalt  }
0x79: {  	_ =	shalt  }
0x7a: {  	_ =	shalt  }
0x7b: {  	_ =	shalt  }
0x7c: {  	_ =	shalt  }
0x7d: {  	_ =	shalt  }
0x7e: {  	_ =	shalt  }
0x7f: {  	_ =	shalt  }
0x80: {  	_ =	shalt  }
0x81: {  	_ =	shalt  }
0x82: {  	_ =	shalt  }
0x83: {  	_ =	shalt  }
0x84: {  	_ =	shalt  }
0x85: {  	_ =	shalt  }
0x86: {  	_ =	shalt  }
0x87: {  	_ =	shalt  }
.Lfunc_end0:
.L_simem_size_0:
called_computation_lowered:
.L_overlay_start_0:
0x88: {  	s2 =	sld [smem:$0x3FD9]  }
0x89: {  	s3 =	sld [smem:$0x3FFE];
	_ =	sdelay $0x1  }
0x8a: {  	s1 =	srdreg.scid  }
0x8b: {  	s0 =	sand.u32 $0x1, s1  }
0x8c: {  	s17 =	sshll.u32 s0, $0xA;
	s2 =	sadd.s32 s3, s2  }
0x8d: {  	s2 =	sadd.s32 s2, s17  }
0x8e: {  	[smem:$0x3FC2] =	sst s2  }
0x8f: {  	_ = 	snop  }
0x90: {  	s2 =	sld [smem:$0x3FC9]  }
0x91: {  	s18 =	sld [smem:$0x3FC8];
	(tm) =	ssettm $0x1  }
0x92: {  	s4 =	sld [smem:$0x3FFB];
	_ =	sdelay $0x3  }
0x93: {  	_ =	strace s4  }
0x94: {  	s4 =	sld [smem:$0x3FFC];
	_ =	sdelay $0x3  }
0x95: {  	_ =	strace s4  }
0x96: {  	s4 =	sld [smem:$0x3FFD];
	_ =	sdelay $0x3  }
0x97: {  	_ =	strace s4  }
0x98: {  	_ =	strace $0x8FFFFFFF  }
0x99: {  	s19 =	sld [smem:$0x3FDB];
	_ =	sdelay $0x1  }
0x9a: {  	s5 =	simm.s32 $_scs_section_size  }
0x9b: {  	s6 =	simm.s32 $_size__tile_overlayer_lowered;
	s7 =	simm.s32 $_tile_overlayer_lowered  }
0x9c: {  	s22 =	simm.s32 $0x1BFF;
	s21 =	sshll.u32 s7, $0x1;
	s4 =	sadd.s32 s5, s19  }
0x9d: {  	s8 =	simm.s32 $0x0;
	s20 =	sshll.u32 s6, $0x1;
	s6 =	sadd.s32 s21, s4  }
0x9e: {  	[timem:s8], [sflag:s22] =	dma.local [hbm:s6], s20  }
0x9f: {  	_ =	swait.ge [sflag:s22], s20  }
0xa0: {  	s5 =	ssub.s32 $0x0, s20;
	[sflag:s22] =	ssyncset.done $0x0  }
0xa1: {  	[sflag:s22] =	ssyncadd.s32 s5;
	_ =	sdelay $0x1  }
0xa2: {  	s23 =	simm.s32 $0x1B8B  }
0xa3: {  	_ =	swait.ge [sflag:s23], $0x1  }
0xa4: {  	[sflag:s23] =	ssyncset.done $0x0  }
0xa5: {  	s25 =	simm.s32 $0x1B8E;
	s24 =	sld [smem:$0x3FFE];
	[sflag:s23] =	ssyncadd.s32 $0xFFFFFFFF  }
0xa6: {  	s26 =	simm.s32 $execute0_lowered;
	[smem:$0x3FD2] =	sst s25  }
0xa7: {  	s6 =	sshll.u32 s26, $0x1;
	_ =	strace $0x80000046;
	[dreg:$0x1] =	wrdreg $0xFFFFFFFF  }
0xa8: {  	s28 =	simm.s32 $_size_execute0_lowered;
	s4 =	sadd.s32 s4, s6;
	[dreg:$0x0] =	wrdreg $0x0  }
0xa9: {  	s6 =	sshll.u32 s28, $0x1;
	[dreg:$0x2] =	wrdreg s4  }
0xaa: {  	[dreg:$0x3] =	wrdreg s6  }
0xab: {  	[dreg:$0x4] =	wrdreg $0xC0  }
0xac: {  	_ =	task [dreg:s8], $0x5FFFF  }
0xad: {  	[dreg:$0x1] =	wrdreg $0xFFFFFFFF  }
0xae: {  	[dreg:$0x0] =	wrdreg $0x60  }
0xaf: {  	[dreg:$0x2] =	wrdreg s2  }
0xb0: {  	[dreg:$0x3] =	wrdreg s18  }
0xb1: {  	[dreg:$0x4] =	wrdreg s24  }
0xb2: {  	[dreg:$0x5] =	wrdreg $0x9  }
0xb3: {  	_ =	task.clear_ibuf [dreg:s8], $0x6FFFF;
	_ =	strace $0x90000046  }
0xb4: {  	s29 =	simm.s32 $0x9;
	_ =	strace $0x80000048  }
0xb5: {  	_ =	swait.ge [sflag:s29], $0x1  }
0xb6: {  	[sflag:s29] =	ssyncadd.s32 $0xFFFFFFFF  }
0xb7: {  	_ =	strace $0x90000048  }
0xb8: {  	_ =	sfence  }
0xb9: {  	s30 =	sld [smem:$0x0];
	_ =	sdelay $0x2  }
0xba: {  	s31 =	sshll.u32 s1, $0xD;
	s1 =	sshrl.u32 s1, $0x2  }
0xbb: {  	s3 =	sand.u32 $0x4000, s31;
	s1 =	sadd.s32 s1, s30  }
0xbc: {  	s0 =	sor.u32 s3, s0;
	s1 =	sshll.u32 s1, $0x11  }
0xbd: {  	s0 =	sor.u32 s1, s0  }
0xbe: {  	s0 =	sadd.s32 $0x8F2B, s0  }
0xbf: {  	[sflag:s0] =	ssyncadd.remote.s32 $0x1  }
0xc0: {  	_ =	sfence.sel $0xFFFF  }
0xc1: {  	[dreg:$0x0] =	wrdreg $0xFFFFFFFF;
	(pc) =	sbr.abs _section_cstart, $3  }
0xc2: {  	[dreg:$0x1] =	wrdreg $0xFFFFFFFF  }
0xc3: {  	_ =	task.clear_ibuf [dreg:s8], $0x2FFFF;
	_ =	strace $0x9FFFFFFF  }
0xc4: {  	(tm) =	ssettm $0x7FFFFFFF  }
0xc5: {  	_ =	shalt  }
tec
execute0_lowered:
.L_overlay_start_1:
0x0: {  	(tag) =	ssettag $0x1  }
0x1: {  	s4 =	rddreg [dreg:$0x0]  }
0x2: {  	s2 =	rddreg [dreg:$0x1]  }
0x3: {  	s5 =	rddreg [dreg:$0x2];
	s3 =	srdreg.scid  }
0x4: {  	s0 =	rddreg [dreg:$0x3];
	s1 =	stileid.u32;
	s14 =	simm.s32 $0x3  }
0x5: {  	s15 =	simm.s32 $0x80;
	s16 =	simm.s32 $0x8080;
	s17 =	simm.s32 $0x1  }
0x6: {  	s18 =	simm.s32 $0x2;
	s6 =	sand.u32 $0x1, s3;
	s3 =	simm.s32 $0x0  }
0x7: {  	s7 =	sshll.u32 s1, $0x8;
	s8 =	sshll.u32 s6, $0x7;
	[smem:$0x7FF] =	sst s3  }
0x8: {  	s6 =	ssub.s32 $0x2, s6;
	s7 =	sor.u32 s8, s7;
	_ =	strace $0x80000047  }
0x9: {  	s9 =	sshrl.u32 s6, $0x1;
	s8 =	sshll.u32 s7, $0x8;
	s31 =	sshrl.u32 s7, $0x3  }
0xa: {  	s13 =	ssub.s32 s6, s9;
	s12 =	sadd.s32 s8, s5;
	s4 =	sadd.s32 s4, s31  }
0xb: {  	s13 =	smax.u32 s13, $0x1;
	s5 =	sadd.s32 $0xC00, s12;
	s6 =	sadd.s32 $0x1C00, s12  }
0xc: {  	s7 =	sadd.s32 $0x2C00, s12;
	s8 =	sadd.s32 $0x3C00, s12;
	s9 =	sadd.s32 $0x4C00, s12  }
0xd: {  	v0 =	vlaneseq.u32;
	vm0 =	vmmov $0xffff;
	s10 =	sadd.s32 $0x5C00, s12;
	s11 =	sadd.s32 $0x6C00, s12;
	s12 =	sadd.s32 $0x7C00, s12  }
.LBB2_1:
0xe: {  	[tilespmem:s3], [sflag:$0x3] =	stream.linear.gather [hbm4b:s4+s3], $0x80, $0x38;
	[tilespmem:$0x10080] =	vst v63  }
0xf: {  	_ =	swait.ge [sflag:s14], $0x80  }
0x10: {  	[sflag:s14] =	ssyncset.done $0x0  }
0x11: {  	[sflag:s14] =	ssyncadd.s32 $0xFFFFFF80  }
0x12: {  	v1 =	vld [tilespmem:$0x0];
	_ =	sdelay $0x4  }
0x13: {  	v1 =	vshll.u32 v1, $0xB  }
0x14: {  	v1 =	vperm.xlane v1, v0;
	_ =	sdelay $0x5  }
0x15: {  	[tilespmem:s15], [sflag:$0x1] =	stream.indirect_vreg.gather [hbm4b:s2+s3], $0x800, v1, vm0, $0x38;
	[tilespmem:$0x10080] =	vst v63  }
0x16: {  	v1 =	vld [tilespmem:$0x10];
	_ =	sdelay $0x4  }
0x17: {  	v1 =	vshll.u32 v1, $0xB  }
0x18: {  	v1 =	vperm.xlane v1, v0;
	_ =	sdelay $0x5  }
0x19: {  	[tilespmem:s16], [sflag:$0x1] =	stream.indirect_vreg.gather [hbm4b:s2+s3], $0x800, v1, vm0, $0x38;
	[tilespmem:$0x10080] =	vst v63  }
0x1a: {  	_ =	swait.ge [sflag:s17], $0x8000  }
0x1b: {  	[sflag:s17] =	ssyncset.done $0x0  }
0x1c: {  	[sflag:s17] =	ssyncadd.s32 $0xFFFF8000  }
0x1d: {  	[hbm4b:s5+s3] =	stream.linear.scatter [tilespmem:s15], [sflag:$0x2], $0x8000, $0x38;
	[tilespmem:$0x10080] =	vst v63  }
0x1e: {  	_ =	swait.ge [sflag:s18], $0x8000  }
0x1f: {  	[sflag:s18] =	ssyncset.done $0x0  }
0x20: {  	[sflag:s18] =	ssyncadd.s32 $0xFFFF8000  }
0x21: {  	v1 =	vld [tilespmem:$0x20];
	_ =	sdelay $0x4  }
0x22: {  	v1 =	vshll.u32 v1, $0xB  }
0x23: {  	v1 =	vperm.xlane v1, v0;
	_ =	sdelay $0x5  }
0x24: {  	[tilespmem:s15], [sflag:$0x1] =	stream.indirect_vreg.gather [hbm4b:s2+s3], $0x800, v1, vm0, $0x38;
	[tilespmem:$0x10080] =	vst v63  }
0x25: {  	_ =	swait.ge [sflag:s17], $0x8000  }
0x26: {  	[sflag:s17] =	ssyncset.done $0x0  }
0x27: {  	[sflag:s17] =	ssyncadd.s32 $0xFFFF8000  }
0x28: {  	[hbm4b:s6+s3] =	stream.linear.scatter [tilespmem:s16], [sflag:$0x2], $0x8000, $0x38;
	[tilespmem:$0x10080] =	vst v63  }
0x29: {  	_ =	swait.ge [sflag:s18], $0x8000  }
0x2a: {  	[sflag:s18] =	ssyncset.done $0x0  }
0x2b: {  	[sflag:s18] =	ssyncadd.s32 $0xFFFF8000  }
0x2c: {  	v1 =	vld [tilespmem:$0x30];
	_ =	sdelay $0x4  }
0x2d: {  	v1 =	vshll.u32 v1, $0xB  }
0x2e: {  	v1 =	vperm.xlane v1, v0;
	_ =	sdelay $0x5  }
0x2f: {  	[tilespmem:s16], [sflag:$0x1] =	stream.indirect_vreg.gather [hbm4b:s2+s3], $0x800, v1, vm0, $0x38;
	[tilespmem:$0x10080] =	vst v63  }
0x30: {  	_ =	swait.ge [sflag:s17], $0x8000  }
0x31: {  	[sflag:s17] =	ssyncset.done $0x0  }
0x32: {  	[sflag:s17] =	ssyncadd.s32 $0xFFFF8000  }
0x33: {  	[hbm4b:s7+s3] =	stream.linear.scatter [tilespmem:s15], [sflag:$0x2], $0x8000, $0x38;
	[tilespmem:$0x10080] =	vst v63  }
0x34: {  	_ =	swait.ge [sflag:s18], $0x8000  }
0x35: {  	[sflag:s18] =	ssyncset.done $0x0  }
0x36: {  	[sflag:s18] =	ssyncadd.s32 $0xFFFF8000  }
0x37: {  	v1 =	vld [tilespmem:$0x40];
	_ =	sdelay $0x4  }
0x38: {  	v1 =	vshll.u32 v1, $0xB  }
0x39: {  	v1 =	vperm.xlane v1, v0;
	_ =	sdelay $0x5  }
0x3a: {  	[tilespmem:s15], [sflag:$0x1] =	stream.indirect_vreg.gather [hbm4b:s2+s3], $0x800, v1, vm0, $0x38;
	[tilespmem:$0x10080] =	vst v63  }
0x3b: {  	_ =	swait.ge [sflag:s17], $0x8000  }
0x3c: {  	[sflag:s17] =	ssyncset.done $0x0  }
0x3d: {  	[sflag:s17] =	ssyncadd.s32 $0xFFFF8000  }
0x3e: {  	[hbm4b:s8+s3] =	stream.linear.scatter [tilespmem:s16], [sflag:$0x2], $0x8000, $0x38;
	[tilespmem:$0x10080] =	vst v63  }
0x3f: {  	_ =	swait.ge [sflag:s18], $0x8000  }
0x40: {  	[sflag:s18] =	ssyncset.done $0x0  }
0x41: {  	[sflag:s18] =	ssyncadd.s32 $0xFFFF8000  }
0x42: {  	v1 =	vld [tilespmem:$0x50];
	_ =	sdelay $0x4  }
0x43: {  	v1 =	vshll.u32 v1, $0xB  }
0x44: {  	v1 =	vperm.xlane v1, v0;
	_ =	sdelay $0x5  }
0x45: {  	[tilespmem:s16], [sflag:$0x1] =	stream.indirect_vreg.gather [hbm4b:s2+s3], $0x800, v1, vm0, $0x38;
	[tilespmem:$0x10080] =	vst v63  }
0x46: {  	_ =	swait.ge [sflag:s17], $0x8000  }
0x47: {  	[sflag:s17] =	ssyncset.done $0x0  }
0x48: {  	[sflag:s17] =	ssyncadd.s32 $0xFFFF8000  }
0x49: {  	[hbm4b:s9+s3] =	stream.linear.scatter [tilespmem:s15], [sflag:$0x2], $0x8000, $0x38;
	[tilespmem:$0x10080] =	vst v63  }
0x4a: {  	_ =	swait.ge [sflag:s18], $0x8000  }
0x4b: {  	[sflag:s18] =	ssyncset.done $0x0  }
0x4c: {  	[sflag:s18] =	ssyncadd.s32 $0xFFFF8000  }
0x4d: {  	v1 =	vld [tilespmem:$0x60];
	_ =	sdelay $0x4  }
0x4e: {  	v1 =	vshll.u32 v1, $0xB  }
0x4f: {  	v1 =	vperm.xlane v1, v0;
	_ =	sdelay $0x5  }
0x50: {  	[tilespmem:s15], [sflag:$0x1] =	stream.indirect_vreg.gather [hbm4b:s2+s3], $0x800, v1, vm0, $0x38;
	[tilespmem:$0x10080] =	vst v63  }
0x51: {  	_ =	swait.ge [sflag:s17], $0x8000  }
0x52: {  	[sflag:s17] =	ssyncset.done $0x0  }
0x53: {  	[sflag:s17] =	ssyncadd.s32 $0xFFFF8000  }
0x54: {  	[hbm4b:s10+s3] =	stream.linear.scatter [tilespmem:s16], [sflag:$0x2], $0x8000, $0x38;
	[tilespmem:$0x10080] =	vst v63  }
0x55: {  	_ =	swait.ge [sflag:s18], $0x8000  }
0x56: {  	[sflag:s18] =	ssyncset.done $0x0  }
0x57: {  	[sflag:s18] =	ssyncadd.s32 $0xFFFF8000  }
0x58: {  	v1 =	vld [tilespmem:$0x70];
	_ =	sdelay $0x4  }
0x59: {  	v1 =	vshll.u32 v1, $0xB  }
0x5a: {  	v1 =	vperm.xlane v1, v0;
	_ =	sdelay $0x5  }
0x5b: {  	[tilespmem:s16], [sflag:$0x1] =	stream.indirect_vreg.gather [hbm4b:s2+s3], $0x800, v1, vm0, $0x38;
	[tilespmem:$0x10080] =	vst v63  }
0x5c: {  	_ =	swait.ge [sflag:s17], $0x8000  }
0x5d: {  	[sflag:s17] =	ssyncset.done $0x0  }
0x5e: {  	[sflag:s17] =	ssyncadd.s32 $0xFFFF8000  }
0x5f: {  	[hbm4b:s11+s3] =	stream.linear.scatter [tilespmem:s15], [sflag:$0x2], $0x8000, $0x38;
	[tilespmem:$0x10080] =	vst v63  }
0x60: {  	_ =	swait.ge [sflag:s17], $0x8000  }
0x61: {  	[sflag:s17] =	ssyncset.done $0x0  }
0x62: {  	[sflag:s17] =	ssyncadd.s32 $0xFFFF8000  }
0x63: {  	[hbm4b:s12+s3] =	stream.linear.scatter [tilespmem:s16], [sflag:$0x2], $0x8000, $0x38;
	[tilespmem:$0x10080] =	vst v63  }
0x64: {  	p0 =	sne.s32 s13, $0x1;
	_ =	swait.ge [sflag:s18], $0x8000  }
.Ltmp0:
0x65: {  	[sflag:s18] =	ssyncset.done $0x0;
	(pc) =	sbr.rel @p0 .LBB2_1-.Ltmp0, $4  }
0x66: {  	[sflag:s18] =	ssyncadd.s32 $0xFFFF8000  }
0x67: {  	_ =	swait.ge [sflag:s18], $0x8000  }
0x68: {  	[sflag:s18] =	ssyncset.done $0x0  }
0x69: {  	s13 =	sadd.s32 $0xFFFFFFFF, s13;
	[sflag:s18] =	ssyncadd.s32 $0xFFFF8000  }
0x6a: {  	_ =	sfence.sel $0x180000  }
0x6b: {  	[bflag:$0x0] =	sbarrier.arrive $0xFFFF  }
0x6c: {  	p0 =	sne.s32 s1, $0x0;
	_ =	strace $0x90000047  }
0x6d: {  	s0 =	sadd.s32 @!p0 $0x100000, s0;
	[bflag:$0x2] =	sbarrier.arrive $0xFFFF  }
0x6e: {  	[sflag:s0] =	ssyncadd.tile.s32 @!p0 $0x1;
	_ =	shalt  }
.Lfunc_end2:
_tile_overlayer_lowered:
.L_overlay_start_2:
0x6f: {  	(tag) =	ssettag $0x2  }
0x70: {  	s0 =	rddreg [dreg:$0x0];
	s2 =	stileid.u32  }
0x71: {  	s1 =	rddreg [dreg:$0x1];
	p0 =	sne.s32 s2, $0x0  }
0x72: {  	s3 =	rddreg [dreg:$0x2];
	[bflag:$0x3] =	sbarrier.arrive $0xFFFF;
	s2 =	simm.s32 @!p0 $0x1C03  }
0x73: {  	[timem:s3], [sflag:s2] =	dma.local @!p0 [hbm:s0], s1  }
0x74: {  	s0 =	simm.s32 @!p0 $0x3  }
0x75: {  	_ =	swait.ge @!p0 [sflag:s0], s1  }
0x76: {  	s1 =	ssub.s32 @!p0 $0x0, s1;
	[sflag:s0] =	ssyncset.done @!p0 $0x0  }
0x77: {  	[sflag:s0] =	ssyncadd.s32 @!p0 s1  }
0x78: {  	[bflag:$0x3] =	sbarrier.arrive $0xFFFF  }
0x79: {  	_ =	shalt  }

</sc_bundles>
